<compile_context>
chip_gen: v7x
topology: tpu7x:2x2x1
jax: 0.10.2.dev20260603
libtpu: 0.0.44.dev20260713+nightly
codegen_flags: <defaults>
</compile_context>

<pallas_src>
import functools

import jax
import jax.numpy as jnp
from jax import lax
from jax.experimental import pallas as pl
from jax.experimental.pallas import tpu as pltpu
from jax.experimental.pallas import tpu_sc as plsc

_VOCAB = 100
_EMB = 400
_OUT = 1000
_BITS = 8
_WORDS = 128
_BATCH = 16384

_NC = 2
_NS = 16
_NW = _NC * _NS
_BPW = _BATCH // _NW
_CHUNK = 128
_NCHUNK = _BPW // _CHUNK


def _table_kernel(tab_ref, w_ref, b_ref, out_ref):
    acc = jnp.dot(tab_ref[...], w_ref[...], preferred_element_type=jnp.float32)
    pred = ((acc + b_ref[...]) > 0.0).astype(jnp.float32)
    rows = lax.broadcasted_iota(jnp.int32, (_OUT, _WORDS), 0)
    cols = lax.broadcasted_iota(jnp.int32, (_OUT, _WORDS), 1)
    pack = jnp.where(rows % _WORDS == cols,
                     jnp.left_shift(1, rows // _WORDS), 0).astype(jnp.float32)
    packed = jnp.dot(pred, pack, preferred_element_type=jnp.float32)
    out_ref[...] = packed.astype(jnp.int32)


def _decision_table(table, W, b):
    return pl.pallas_call(
        _table_kernel,
        out_shape=jax.ShapeDtypeStruct((_VOCAB, _WORDS), jnp.int32),
    )(table, W, b.reshape(1, _OUT))


def _gather_rows(pt, idx3, nchunk):
    mesh = plsc.VectorSubcoreMesh(core_axis_name="c", subcore_axis_name="s")
    rows = _NW * nchunk * _CHUNK
    bpw = nchunk * _CHUNK

    @functools.partial(
        pl.kernel,
        mesh=mesh,
        out_type=jax.ShapeDtypeStruct((rows, _WORDS), jnp.int32),
        scratch_types=[
            pltpu.VMEM_SHARED((_VOCAB, _WORDS), jnp.int32),
            pltpu.VMEM((nchunk, _CHUNK), jnp.int32),
            pltpu.VMEM((nchunk, _CHUNK, _WORDS), jnp.int32),
            pltpu.SemaphoreType.DMA,
            pltpu.SemaphoreType.DMA,
        ],
    )
    def k(pt_hbm, idx_hbm, out_hbm, pt_s, idx_v, rows_v, gsem, ssem):
        sid = lax.axis_index("s")
        wid = sid * _NC + lax.axis_index("c")
        @pl.when(sid == 0)
        def _():
            pltpu.sync_copy(pt_hbm, pt_s)
        pltpu.sync_copy(idx_hbm.at[wid], idx_v)
        plsc.subcore_barrier()
        gathers = [
            pltpu.async_copy(pt_s.at[idx_v.at[j]], rows_v.at[j], gsem)
            for j in range(nchunk)
        ]
        scatters = []
        for j in range(nchunk):
            gathers[j].wait()
            scatters.append(pltpu.async_copy(
                rows_v.at[j], out_hbm.at[pl.ds(wid * bpw + j * _CHUNK, _CHUNK)], ssem))
        for s in scatters:
            s.wait()

    return k(pt, idx3)


_UBLK = 8192


def _unpack_kernel(pk_ref, out_ref):
    blk_t = pk_ref[...].T
    for k in range(_BITS):
        out_ref[pl.ds(_WORDS * k, _WORDS), :] = ((blk_t >> k) & 1).astype(jnp.uint8)


def _unpack_t(packed):
    rows = packed.shape[0]
    return pl.pallas_call(
        _unpack_kernel,
        grid=(rows // _UBLK,),
        in_specs=[pl.BlockSpec((_UBLK, _WORDS), lambda i: (i, 0))],
        out_specs=pl.BlockSpec((_BITS * _WORDS, _UBLK), lambda i: (0, i)),
        out_shape=jax.ShapeDtypeStruct((_BITS * _WORDS, rows), jnp.uint8),
    )(packed)


def kernel(inputs, embedding_var, W, b):
    pt = _decision_table(embedding_var, W, b)
    idx3 = inputs.astype(jnp.int32).reshape(_NW, _NCHUNK, _CHUNK)
    packed = _gather_rows(pt, idx3, _NCHUNK)
    bits_t = _unpack_t(packed)
    return (bits_t[:_OUT] != 0).T

# --- scband reference (transcript-rebuilt; emitter-appended) ---
"""Pipeline reference for scband-my-model-87522843561367 (READ-ONLY COPY).

The authoritative reference and input builder live on the scoring server;
editing this copy changes nothing except your own understanding.
"""

import jax, jax.numpy as jnp
import numpy as np

VOCAB = 100
EMB_DIM = 400
OUT_DIM = 1000
BATCH = 16384


def setup_inputs(seed: int = 0) -> dict:
    key = jax.random.key(seed)
    k_idx, k_tab, k_w, k_b = jax.random.split(key, 4)
    inputs = jax.random.randint(k_idx, (BATCH,), 0, VOCAB, dtype=jnp.int64 if jax.config.read('jax_enable_x64') else jnp.int32)
    # embedding table initialized like np.random.rand (uniform [0,1)), frozen in the original model
    embedding_var = jax.random.uniform(k_tab, (VOCAB, EMB_DIM), dtype=jnp.float32)
    # Dense(1000) params (glorot-uniform-ish kernel, zero bias)
    limit = jnp.sqrt(6.0 / (EMB_DIM + OUT_DIM))
    W = jax.random.uniform(k_w, (EMB_DIM, OUT_DIM), minval=-limit, maxval=limit, dtype=jnp.float32)
    b = jnp.zeros((OUT_DIM,), dtype=jnp.float32)
    return {"inputs": inputs, "embedding_var": embedding_var, "W": W, "b": b}


def reference(inputs, embedding_var, W, b):
    # tf.nn.embedding_lookup -> gather rows
    emb = jnp.take(embedding_var, inputs, axis=0)            # [B, EMB_DIM]
    # Dense layer
    logits = emb @ W + b                                      # [B, OUT_DIM]
    # tf.greater(logits, 0.0)
    predictions = logits > 0.0                                # bool [B, OUT_DIM]
    return predictions

if __name__ == "__main__":
    import jax
    _d = setup_inputs()
    print(jax.jit(kernel)(*tuple(_d.values())))

</pallas_src>

<mosaic_0001>
#map = affine_map<(d0, d1) -> (0, 0)>
#map1 = affine_map<(d0, d1) -> (0, 0, 0)>
module attributes {stable_mosaic.version = 14 : i64} {
  func.func @k(%arg0: i32, %arg1: i32, %arg2: memref<100x128xi32, #tpu.memory_space<hbm>>, %arg3: memref<32x4x128xi32, #tpu.memory_space<hbm>>, %arg4: memref<16384x128xi32, #tpu.memory_space<hbm>>, %arg5: memref<100x128xi32, #tpu.memory_space<vmem_shared>>, %arg6: memref<4x128xi32, #tpu.memory_space<vmem>>, %arg7: memref<4x128x128xi32, #tpu.memory_space<vmem>>, %arg8: memref<!tpu.dma_semaphore, #tpu.memory_space<semaphore_mem>>, %arg9: memref<!tpu.dma_semaphore, #tpu.memory_space<semaphore_mem>>) attributes {dimension_semantics = [#tpu.dimension_semantics<core_parallel>, #tpu.dimension_semantics<subcore_parallel>], iteration_bounds = array<i64: 2, 16>, scalar_prefetch = 0 : i64, scratch_operands = 5 : i64, tpu.core_type = #tpu.core_type<sc_vector_subcore>, window_params = [{transform_indices = #map}, {transform_indices = #map1}, {transform_indices = #map}]} {
    %mul3A = arith.constant 2 : i32
    %mul3A_0 = arith.muli %arg1, %mul3A : i32
    %add3A = arith.addi %mul3A_0, %arg0 : i32
    %eq3A = arith.constant 0 : i32
    %eq3A_1 = arith.cmpi eq, %arg1, %eq3A : i32
    %convert_element_type3A = arith.extui %eq3A_1 : i1 to i32
    %cond3A = arith.constant 0 : i32
    %cond3A_2 = arith.cmpi ne, %convert_element_type3A, %cond3A : i32
    scf.if %cond3A_2 {
      "tpu.region"() ({
        %run_scoped3A = tpu.sem_alloc : memref<!tpu.dma_semaphore, #tpu.memory_space<semaphore_mem>>
        tpu.enqueue_dma source(%arg2 : memref<100x128xi32, #tpu.memory_space<hbm>>) target(%arg5 : memref<100x128xi32, #tpu.memory_space<vmem_shared>>) target_semaphore(%run_scoped3A : memref<!tpu.dma_semaphore, #tpu.memory_space<semaphore_mem>>)
        tpu.wait_dma2 semaphore(%run_scoped3A : memref<!tpu.dma_semaphore, #tpu.memory_space<semaphore_mem>>) src(%arg2 : memref<100x128xi32, #tpu.memory_space<hbm>>) dst(%arg5 : memref<100x128xi32, #tpu.memory_space<vmem_shared>>)
        tpu.yield
      }) : () -> ()
    } else {
    }
    "tpu.region"() ({
      %run_scoped3A = tpu.sem_alloc : memref<!tpu.dma_semaphore, #tpu.memory_space<semaphore_mem>>
      %dma_start3A_217 = arith.constant 0 : i32
      %dma_start3A_218 = arith.constant 0 : i32
      %dma_start3A_219 = tpu.memref_slice %arg3[%add3A, %dma_start3A_217, %dma_start3A_218] : memref<32x4x128xi32, #tpu.memory_space<hbm>> -> memref<1x4x128xi32, #tpu.memory_space<hbm>>
      %dma_start3A_220 = tpu.memref_squeeze %dma_start3A_219 : memref<1x4x128xi32, #tpu.memory_space<hbm>> -> memref<4x128xi32, #tpu.memory_space<hbm>>
      %dma_start3A_221 = arith.constant 0 : i32
      %dma_start3A_222 = arith.constant 0 : i32
      %dma_start3A_223 = tpu.memref_slice %arg3[%add3A, %dma_start3A_221, %dma_start3A_222] : memref<32x4x128xi32, #tpu.memory_space<hbm>> -> memref<1x4x128xi32, #tpu.memory_space<hbm>>
      %dma_start3A_224 = tpu.memref_squeeze %dma_start3A_223 : memref<1x4x128xi32, #tpu.memory_space<hbm>> -> memref<4x128xi32, #tpu.memory_space<hbm>>
      tpu.enqueue_dma source(%dma_start3A_224 : memref<4x128xi32, #tpu.memory_space<hbm>>) target(%arg6 : memref<4x128xi32, #tpu.memory_space<vmem>>) target_semaphore(%run_scoped3A : memref<!tpu.dma_semaphore, #tpu.memory_space<semaphore_mem>>)
      %dma_wait3A_225 = arith.constant 0 : i32
      %dma_wait3A_226 = arith.constant 0 : i32
      %dma_wait3A_227 = tpu.memref_slice %arg3[%add3A, %dma_wait3A_225, %dma_wait3A_226] : memref<32x4x128xi32, #tpu.memory_space<hbm>> -> memref<1x4x128xi32, #tpu.memory_space<hbm>>
      %dma_wait3A_228 = tpu.memref_squeeze %dma_wait3A_227 : memref<1x4x128xi32, #tpu.memory_space<hbm>> -> memref<4x128xi32, #tpu.memory_space<hbm>>
      %dma_wait3A_229 = arith.constant 0 : i32
      %dma_wait3A_230 = arith.constant 0 : i32
      %dma_wait3A_231 = tpu.memref_slice %arg3[%add3A, %dma_wait3A_229, %dma_wait3A_230] : memref<32x4x128xi32, #tpu.memory_space<hbm>> -> memref<1x4x128xi32, #tpu.memory_space<hbm>>
      %dma_wait3A_232 = tpu.memref_squeeze %dma_wait3A_231 : memref<1x4x128xi32, #tpu.memory_space<hbm>> -> memref<4x128xi32, #tpu.memory_space<hbm>>
      tpu.wait_dma2 semaphore(%run_scoped3A : memref<!tpu.dma_semaphore, #tpu.memory_space<semaphore_mem>>) src(%dma_wait3A_232 : memref<4x128xi32, #tpu.memory_space<hbm>>) dst(%arg6 : memref<4x128xi32, #tpu.memory_space<vmem>>)
      tpu.yield
    }) : () -> ()
    %barrier3A = arith.constant 0 : index
    tpu.barrier barrier_id(%barrier3A)
    %dma_start3A = arith.constant 0 : i32
    %dma_start3A_3 = arith.constant 0 : i32
    %dma_start3A_4 = arith.constant 0 : i32
    %dma_start3A_5 = arith.constant 0 : i32
    %dma_start3A_6 = tpu.memref_slice %arg7[%dma_start3A_3, %dma_start3A_4, %dma_start3A_5] : memref<4x128x128xi32, #tpu.memory_space<vmem>> -> memref<1x128x128xi32, #tpu.memory_space<vmem>>
    %dma_start3A_7 = tpu.memref_squeeze %dma_start3A_6 : memref<1x128x128xi32, #tpu.memory_space<vmem>> -> memref<128x128xi32, #tpu.memory_space<vmem>>
    %dma_start3A_8 = arith.constant 0 : i32
    %dma_start3A_9 = tpu.memref_slice %arg6[%dma_start3A, %dma_start3A_8] : memref<4x128xi32, #tpu.memory_space<vmem>> -> memref<1x128xi32, #tpu.memory_space<vmem>>
    %dma_start3A_10 = tpu.memref_squeeze %dma_start3A_9 : memref<1x128xi32, #tpu.memory_space<vmem>> -> memref<128xi32, #tpu.memory_space<vmem>>
    %dma_start3A_11 = arith.constant 0 : i32
    %dma_start3A_12 = arith.constant 0 : i32
    %dma_start3A_13 = tpu.memref_slice %arg5[%dma_start3A_11, %dma_start3A_12] : memref<100x128xi32, #tpu.memory_space<vmem_shared>> -> memref<100x128xi32, #tpu.memory_space<vmem_shared>>
    tpu.enqueue_indirect_dma source(%dma_start3A_13 : memref<100x128xi32, #tpu.memory_space<vmem_shared>>) target(%dma_start3A_7 : memref<128x128xi32, #tpu.memory_space<vmem>>) offsets(%dma_start3A_10 : memref<128xi32, #tpu.memory_space<vmem>>) semaphore(%arg8 : memref<!tpu.dma_semaphore, #tpu.memory_space<semaphore_mem>>)
    %dma_start3A_14 = arith.constant 1 : i32
    %dma_start3A_15 = arith.constant 1 : i32
    %dma_start3A_16 = arith.constant 0 : i32
    %dma_start3A_17 = arith.constant 0 : i32
    %dma_start3A_18 = tpu.memref_slice %arg7[%dma_start3A_15, %dma_start3A_16, %dma_start3A_17] : memref<4x128x128xi32, #tpu.memory_space<vmem>> -> memref<1x128x128xi32, #tpu.memory_space<vmem>>
    %dma_start3A_19 = tpu.memref_squeeze %dma_start3A_18 : memref<1x128x128xi32, #tpu.memory_space<vmem>> -> memref<128x128xi32, #tpu.memory_space<vmem>>
    %dma_start3A_20 = arith.constant 0 : i32
    %dma_start3A_21 = tpu.memref_slice %arg6[%dma_start3A_14, %dma_start3A_20] : memref<4x128xi32, #tpu.memory_space<vmem>> -> memref<1x128xi32, #tpu.memory_space<vmem>>
    %dma_start3A_22 = tpu.memref_squeeze %dma_start3A_21 : memref<1x128xi32, #tpu.memory_space<vmem>> -> memref<128xi32, #tpu.memory_space<vmem>>
    %dma_start3A_23 = arith.constant 0 : i32
    %dma_start3A_24 = arith.constant 0 : i32
    %dma_start3A_25 = tpu.memref_slice %arg5[%dma_start3A_23, %dma_start3A_24] : memref<100x128xi32, #tpu.memory_space<vmem_shared>> -> memref<100x128xi32, #tpu.memory_space<vmem_shared>>
    tpu.enqueue_indirect_dma source(%dma_start3A_25 : memref<100x128xi32, #tpu.memory_space<vmem_shared>>) target(%dma_start3A_19 : memref<128x128xi32, #tpu.memory_space<vmem>>) offsets(%dma_start3A_22 : memref<128xi32, #tpu.memory_space<vmem>>) semaphore(%arg8 : memref<!tpu.dma_semaphore, #tpu.memory_space<semaphore_mem>>)
    %dma_start3A_26 = arith.constant 2 : i32
    %dma_start3A_27 = arith.constant 2 : i32
    %dma_start3A_28 = arith.constant 0 : i32
    %dma_start3A_29 = arith.constant 0 : i32
    %dma_start3A_30 = tpu.memref_slice %arg7[%dma_start3A_27, %dma_start3A_28, %dma_start3A_29] : memref<4x128x128xi32, #tpu.memory_space<vmem>> -> memref<1x128x128xi32, #tpu.memory_space<vmem>>
    %dma_start3A_31 = tpu.memref_squeeze %dma_start3A_30 : memref<1x128x128xi32, #tpu.memory_space<vmem>> -> memref<128x128xi32, #tpu.memory_space<vmem>>
    %dma_start3A_32 = arith.constant 0 : i32
    %dma_start3A_33 = tpu.memref_slice %arg6[%dma_start3A_26, %dma_start3A_32] : memref<4x128xi32, #tpu.memory_space<vmem>> -> memref<1x128xi32, #tpu.memory_space<vmem>>
    %dma_start3A_34 = tpu.memref_squeeze %dma_start3A_33 : memref<1x128xi32, #tpu.memory_space<vmem>> -> memref<128xi32, #tpu.memory_space<vmem>>
    %dma_start3A_35 = arith.constant 0 : i32
    %dma_start3A_36 = arith.constant 0 : i32
    %dma_start3A_37 = tpu.memref_slice %arg5[%dma_start3A_35, %dma_start3A_36] : memref<100x128xi32, #tpu.memory_space<vmem_shared>> -> memref<100x128xi32, #tpu.memory_space<vmem_shared>>
    tpu.enqueue_indirect_dma source(%dma_start3A_37 : memref<100x128xi32, #tpu.memory_space<vmem_shared>>) target(%dma_start3A_31 : memref<128x128xi32, #tpu.memory_space<vmem>>) offsets(%dma_start3A_34 : memref<128xi32, #tpu.memory_space<vmem>>) semaphore(%arg8 : memref<!tpu.dma_semaphore, #tpu.memory_space<semaphore_mem>>)
    %dma_start3A_38 = arith.constant 3 : i32
    %dma_start3A_39 = arith.constant 3 : i32
    %dma_start3A_40 = arith.constant 0 : i32
    %dma_start3A_41 = arith.constant 0 : i32
    %dma_start3A_42 = tpu.memref_slice %arg7[%dma_start3A_39, %dma_start3A_40, %dma_start3A_41] : memref<4x128x128xi32, #tpu.memory_space<vmem>> -> memref<1x128x128xi32, #tpu.memory_space<vmem>>
    %dma_start3A_43 = tpu.memref_squeeze %dma_start3A_42 : memref<1x128x128xi32, #tpu.memory_space<vmem>> -> memref<128x128xi32, #tpu.memory_space<vmem>>
    %dma_start3A_44 = arith.constant 0 : i32
    %dma_start3A_45 = tpu.memref_slice %arg6[%dma_start3A_38, %dma_start3A_44] : memref<4x128xi32, #tpu.memory_space<vmem>> -> memref<1x128xi32, #tpu.memory_space<vmem>>
    %dma_start3A_46 = tpu.memref_squeeze %dma_start3A_45 : memref<1x128xi32, #tpu.memory_space<vmem>> -> memref<128xi32, #tpu.memory_space<vmem>>
    %dma_start3A_47 = arith.constant 0 : i32
    %dma_start3A_48 = arith.constant 0 : i32
    %dma_start3A_49 = tpu.memref_slice %arg5[%dma_start3A_47, %dma_start3A_48] : memref<100x128xi32, #tpu.memory_space<vmem_shared>> -> memref<100x128xi32, #tpu.memory_space<vmem_shared>>
    tpu.enqueue_indirect_dma source(%dma_start3A_49 : memref<100x128xi32, #tpu.memory_space<vmem_shared>>) target(%dma_start3A_43 : memref<128x128xi32, #tpu.memory_space<vmem>>) offsets(%dma_start3A_46 : memref<128xi32, #tpu.memory_space<vmem>>) semaphore(%arg8 : memref<!tpu.dma_semaphore, #tpu.memory_space<semaphore_mem>>)
    %dma_wait3A = arith.constant 0 : i32
    %dma_wait3A_50 = arith.constant 0 : i32
    %dma_wait3A_51 = arith.constant 0 : i32
    %dma_wait3A_52 = arith.constant 0 : i32
    %dma_wait3A_53 = tpu.memref_slice %arg7[%dma_wait3A_50, %dma_wait3A_51, %dma_wait3A_52] : memref<4x128x128xi32, #tpu.memory_space<vmem>> -> memref<1x128x128xi32, #tpu.memory_space<vmem>>
    %dma_wait3A_54 = tpu.memref_squeeze %dma_wait3A_53 : memref<1x128x128xi32, #tpu.memory_space<vmem>> -> memref<128x128xi32, #tpu.memory_space<vmem>>
    %dma_wait3A_55 = arith.constant 0 : i32
    %dma_wait3A_56 = tpu.memref_slice %arg6[%dma_wait3A, %dma_wait3A_55] : memref<4x128xi32, #tpu.memory_space<vmem>> -> memref<1x128xi32, #tpu.memory_space<vmem>>
    %dma_wait3A_57 = tpu.memref_squeeze %dma_wait3A_56 : memref<1x128xi32, #tpu.memory_space<vmem>> -> memref<128xi32, #tpu.memory_space<vmem>>
    %dma_wait3A_58 = arith.constant 0 : i32
    %dma_wait3A_59 = arith.constant 0 : i32
    %dma_wait3A_60 = tpu.memref_slice %arg5[%dma_wait3A_58, %dma_wait3A_59] : memref<100x128xi32, #tpu.memory_space<vmem_shared>> -> memref<100x128xi32, #tpu.memory_space<vmem_shared>>
    tpu.wait_indirect_dma semaphore(%arg8 : memref<!tpu.dma_semaphore, #tpu.memory_space<semaphore_mem>>) src(%dma_wait3A_60 : memref<100x128xi32, #tpu.memory_space<vmem_shared>>) dst(%dma_wait3A_54 : memref<128x128xi32, #tpu.memory_space<vmem>>)
    %mul3A_61 = arith.constant 512 : i32
    %mul3A_62 = arith.muli %add3A, %mul3A_61 : i32
    %add3A_63 = arith.constant 0 : i32
    %add3A_64 = arith.addi %mul3A_62, %add3A_63 : i32
    %dma_start3A_65 = arith.constant 0 : i32
    %dma_start3A_66 = arith.constant 0 : i32
    %dma_start3A_67 = arith.constant 0 : i32
    %dma_start3A_68 = tpu.memref_slice %arg7[%dma_start3A_65, %dma_start3A_66, %dma_start3A_67] : memref<4x128x128xi32, #tpu.memory_space<vmem>> -> memref<1x128x128xi32, #tpu.memory_space<vmem>>
    %dma_start3A_69 = tpu.memref_squeeze %dma_start3A_68 : memref<1x128x128xi32, #tpu.memory_space<vmem>> -> memref<128x128xi32, #tpu.memory_space<vmem>>
    %dma_start3A_70 = arith.constant 0 : i32
    %dma_start3A_71 = tpu.memref_slice %arg4[%add3A_64, %dma_start3A_70] : memref<16384x128xi32, #tpu.memory_space<hbm>> -> memref<128x128xi32, #tpu.memory_space<hbm>>
    %dma_start3A_72 = arith.constant 0 : i32
    %dma_start3A_73 = tpu.memref_slice %arg4[%add3A_64, %dma_start3A_72] : memref<16384x128xi32, #tpu.memory_space<hbm>> -> memref<128x128xi32, #tpu.memory_space<hbm>>
    %dma_start3A_74 = arith.constant 0 : i32
    %dma_start3A_75 = arith.constant 0 : i32
    %dma_start3A_76 = tpu.memref_slice %arg7[%dma_start3A_65, %dma_start3A_74, %dma_start3A_75] : memref<4x128x128xi32, #tpu.memory_space<vmem>> -> memref<1x128x128xi32, #tpu.memory_space<vmem>>
    %dma_start3A_77 = tpu.memref_squeeze %dma_start3A_76 : memref<1x128x128xi32, #tpu.memory_space<vmem>> -> memref<128x128xi32, #tpu.memory_space<vmem>>
    tpu.enqueue_dma source(%dma_start3A_77 : memref<128x128xi32, #tpu.memory_space<vmem>>) target(%dma_start3A_73 : memref<128x128xi32, #tpu.memory_space<hbm>>) target_semaphore(%arg9 : memref<!tpu.dma_semaphore, #tpu.memory_space<semaphore_mem>>)
    %dma_wait3A_78 = arith.constant 1 : i32
    %dma_wait3A_79 = arith.constant 1 : i32
    %dma_wait3A_80 = arith.constant 0 : i32
    %dma_wait3A_81 = arith.constant 0 : i32
    %dma_wait3A_82 = tpu.memref_slice %arg7[%dma_wait3A_79, %dma_wait3A_80, %dma_wait3A_81] : memref<4x128x128xi32, #tpu.memory_space<vmem>> -> memref<1x128x128xi32, #tpu.memory_space<vmem>>
    %dma_wait3A_83 = tpu.memref_squeeze %dma_wait3A_82 : memref<1x128x128xi32, #tpu.memory_space<vmem>> -> memref<128x128xi32, #tpu.memory_space<vmem>>
    %dma_wait3A_84 = arith.constant 0 : i32
    %dma_wait3A_85 = tpu.memref_slice %arg6[%dma_wait3A_78, %dma_wait3A_84] : memref<4x128xi32, #tpu.memory_space<vmem>> -> memref<1x128xi32, #tpu.memory_space<vmem>>
    %dma_wait3A_86 = tpu.memref_squeeze %dma_wait3A_85 : memref<1x128xi32, #tpu.memory_space<vmem>> -> memref<128xi32, #tpu.memory_space<vmem>>
    %dma_wait3A_87 = arith.constant 0 : i32
    %dma_wait3A_88 = arith.constant 0 : i32
    %dma_wait3A_89 = tpu.memref_slice %arg5[%dma_wait3A_87, %dma_wait3A_88] : memref<100x128xi32, #tpu.memory_space<vmem_shared>> -> memref<100x128xi32, #tpu.memory_space<vmem_shared>>
    tpu.wait_indirect_dma semaphore(%arg8 : memref<!tpu.dma_semaphore, #tpu.memory_space<semaphore_mem>>) src(%dma_wait3A_89 : memref<100x128xi32, #tpu.memory_space<vmem_shared>>) dst(%dma_wait3A_83 : memref<128x128xi32, #tpu.memory_space<vmem>>)
    %mul3A_90 = arith.constant 512 : i32
    %mul3A_91 = arith.muli %add3A, %mul3A_90 : i32
    %add3A_92 = arith.constant 128 : i32
    %add3A_93 = arith.addi %mul3A_91, %add3A_92 : i32
    %dma_start3A_94 = arith.constant 1 : i32
    %dma_start3A_95 = arith.constant 0 : i32
    %dma_start3A_96 = arith.constant 0 : i32
    %dma_start3A_97 = tpu.memref_slice %arg7[%dma_start3A_94, %dma_start3A_95, %dma_start3A_96] : memref<4x128x128xi32, #tpu.memory_space<vmem>> -> memref<1x128x128xi32, #tpu.memory_space<vmem>>
    %dma_start3A_98 = tpu.memref_squeeze %dma_start3A_97 : memref<1x128x128xi32, #tpu.memory_space<vmem>> -> memref<128x128xi32, #tpu.memory_space<vmem>>
    %dma_start3A_99 = arith.constant 0 : i32
    %dma_start3A_100 = tpu.memref_slice %arg4[%add3A_93, %dma_start3A_99] : memref<16384x128xi32, #tpu.memory_space<hbm>> -> memref<128x128xi32, #tpu.memory_space<hbm>>
    %dma_start3A_101 = arith.constant 0 : i32
    %dma_start3A_102 = tpu.memref_slice %arg4[%add3A_93, %dma_start3A_101] : memref<16384x128xi32, #tpu.memory_space<hbm>> -> memref<128x128xi32, #tpu.memory_space<hbm>>
    %dma_start3A_103 = arith.constant 0 : i32
    %dma_start3A_104 = arith.constant 0 : i32
    %dma_start3A_105 = tpu.memref_slice %arg7[%dma_start3A_94, %dma_start3A_103, %dma_start3A_104] : memref<4x128x128xi32, #tpu.memory_space<vmem>> -> memref<1x128x128xi32, #tpu.memory_space<vmem>>
    %dma_start3A_106 = tpu.memref_squeeze %dma_start3A_105 : memref<1x128x128xi32, #tpu.memory_space<vmem>> -> memref<128x128xi32, #tpu.memory_space<vmem>>
    tpu.enqueue_dma source(%dma_start3A_106 : memref<128x128xi32, #tpu.memory_space<vmem>>) target(%dma_start3A_102 : memref<128x128xi32, #tpu.memory_space<hbm>>) target_semaphore(%arg9 : memref<!tpu.dma_semaphore, #tpu.memory_space<semaphore_mem>>)
    %dma_wait3A_107 = arith.constant 2 : i32
    %dma_wait3A_108 = arith.constant 2 : i32
    %dma_wait3A_109 = arith.constant 0 : i32
    %dma_wait3A_110 = arith.constant 0 : i32
    %dma_wait3A_111 = tpu.memref_slice %arg7[%dma_wait3A_108, %dma_wait3A_109, %dma_wait3A_110] : memref<4x128x128xi32, #tpu.memory_space<vmem>> -> memref<1x128x128xi32, #tpu.memory_space<vmem>>
    %dma_wait3A_112 = tpu.memref_squeeze %dma_wait3A_111 : memref<1x128x128xi32, #tpu.memory_space<vmem>> -> memref<128x128xi32, #tpu.memory_space<vmem>>
    %dma_wait3A_113 = arith.constant 0 : i32
    %dma_wait3A_114 = tpu.memref_slice %arg6[%dma_wait3A_107, %dma_wait3A_113] : memref<4x128xi32, #tpu.memory_space<vmem>> -> memref<1x128xi32, #tpu.memory_space<vmem>>
    %dma_wait3A_115 = tpu.memref_squeeze %dma_wait3A_114 : memref<1x128xi32, #tpu.memory_space<vmem>> -> memref<128xi32, #tpu.memory_space<vmem>>
    %dma_wait3A_116 = arith.constant 0 : i32
    %dma_wait3A_117 = arith.constant 0 : i32
    %dma_wait3A_118 = tpu.memref_slice %arg5[%dma_wait3A_116, %dma_wait3A_117] : memref<100x128xi32, #tpu.memory_space<vmem_shared>> -> memref<100x128xi32, #tpu.memory_space<vmem_shared>>
    tpu.wait_indirect_dma semaphore(%arg8 : memref<!tpu.dma_semaphore, #tpu.memory_space<semaphore_mem>>) src(%dma_wait3A_118 : memref<100x128xi32, #tpu.memory_space<vmem_shared>>) dst(%dma_wait3A_112 : memref<128x128xi32, #tpu.memory_space<vmem>>)
    %mul3A_119 = arith.constant 512 : i32
    %mul3A_120 = arith.muli %add3A, %mul3A_119 : i32
    %add3A_121 = arith.constant 256 : i32
    %add3A_122 = arith.addi %mul3A_120, %add3A_121 : i32
    %dma_start3A_123 = arith.constant 2 : i32
    %dma_start3A_124 = arith.constant 0 : i32
    %dma_start3A_125 = arith.constant 0 : i32
    %dma_start3A_126 = tpu.memref_slice %arg7[%dma_start3A_123, %dma_start3A_124, %dma_start3A_125] : memref<4x128x128xi32, #tpu.memory_space<vmem>> -> memref<1x128x128xi32, #tpu.memory_space<vmem>>
    %dma_start3A_127 = tpu.memref_squeeze %dma_start3A_126 : memref<1x128x128xi32, #tpu.memory_space<vmem>> -> memref<128x128xi32, #tpu.memory_space<vmem>>
    %dma_start3A_128 = arith.constant 0 : i32
    %dma_start3A_129 = tpu.memref_slice %arg4[%add3A_122, %dma_start3A_128] : memref<16384x128xi32, #tpu.memory_space<hbm>> -> memref<128x128xi32, #tpu.memory_space<hbm>>
    %dma_start3A_130 = arith.constant 0 : i32
    %dma_start3A_131 = tpu.memref_slice %arg4[%add3A_122, %dma_start3A_130] : memref<16384x128xi32, #tpu.memory_space<hbm>> -> memref<128x128xi32, #tpu.memory_space<hbm>>
    %dma_start3A_132 = arith.constant 0 : i32
    %dma_start3A_133 = arith.constant 0 : i32
    %dma_start3A_134 = tpu.memref_slice %arg7[%dma_start3A_123, %dma_start3A_132, %dma_start3A_133] : memref<4x128x128xi32, #tpu.memory_space<vmem>> -> memref<1x128x128xi32, #tpu.memory_space<vmem>>
    %dma_start3A_135 = tpu.memref_squeeze %dma_start3A_134 : memref<1x128x128xi32, #tpu.memory_space<vmem>> -> memref<128x128xi32, #tpu.memory_space<vmem>>
    tpu.enqueue_dma source(%dma_start3A_135 : memref<128x128xi32, #tpu.memory_space<vmem>>) target(%dma_start3A_131 : memref<128x128xi32, #tpu.memory_space<hbm>>) target_semaphore(%arg9 : memref<!tpu.dma_semaphore, #tpu.memory_space<semaphore_mem>>)
    %dma_wait3A_136 = arith.constant 3 : i32
    %dma_wait3A_137 = arith.constant 3 : i32
    %dma_wait3A_138 = arith.constant 0 : i32
    %dma_wait3A_139 = arith.constant 0 : i32
    %dma_wait3A_140 = tpu.memref_slice %arg7[%dma_wait3A_137, %dma_wait3A_138, %dma_wait3A_139] : memref<4x128x128xi32, #tpu.memory_space<vmem>> -> memref<1x128x128xi32, #tpu.memory_space<vmem>>
    %dma_wait3A_141 = tpu.memref_squeeze %dma_wait3A_140 : memref<1x128x128xi32, #tpu.memory_space<vmem>> -> memref<128x128xi32, #tpu.memory_space<vmem>>
    %dma_wait3A_142 = arith.constant 0 : i32
    %dma_wait3A_143 = tpu.memref_slice %arg6[%dma_wait3A_136, %dma_wait3A_142] : memref<4x128xi32, #tpu.memory_space<vmem>> -> memref<1x128xi32, #tpu.memory_space<vmem>>
    %dma_wait3A_144 = tpu.memref_squeeze %dma_wait3A_143 : memref<1x128xi32, #tpu.memory_space<vmem>> -> memref<128xi32, #tpu.memory_space<vmem>>
    %dma_wait3A_145 = arith.constant 0 : i32
    %dma_wait3A_146 = arith.constant 0 : i32
    %dma_wait3A_147 = tpu.memref_slice %arg5[%dma_wait3A_145, %dma_wait3A_146] : memref<100x128xi32, #tpu.memory_space<vmem_shared>> -> memref<100x128xi32, #tpu.memory_space<vmem_shared>>
    tpu.wait_indirect_dma semaphore(%arg8 : memref<!tpu.dma_semaphore, #tpu.memory_space<semaphore_mem>>) src(%dma_wait3A_147 : memref<100x128xi32, #tpu.memory_space<vmem_shared>>) dst(%dma_wait3A_141 : memref<128x128xi32, #tpu.memory_space<vmem>>)
    %mul3A_148 = arith.constant 512 : i32
    %mul3A_149 = arith.muli %add3A, %mul3A_148 : i32
    %add3A_150 = arith.constant 384 : i32
    %add3A_151 = arith.addi %mul3A_149, %add3A_150 : i32
    %dma_start3A_152 = arith.constant 3 : i32
    %dma_start3A_153 = arith.constant 0 : i32
    %dma_start3A_154 = arith.constant 0 : i32
    %dma_start3A_155 = tpu.memref_slice %arg7[%dma_start3A_152, %dma_start3A_153, %dma_start3A_154] : memref<4x128x128xi32, #tpu.memory_space<vmem>> -> memref<1x128x128xi32, #tpu.memory_space<vmem>>
    %dma_start3A_156 = tpu.memref_squeeze %dma_start3A_155 : memref<1x128x128xi32, #tpu.memory_space<vmem>> -> memref<128x128xi32, #tpu.memory_space<vmem>>
    %dma_start3A_157 = arith.constant 0 : i32
    %dma_start3A_158 = tpu.memref_slice %arg4[%add3A_151, %dma_start3A_157] : memref<16384x128xi32, #tpu.memory_space<hbm>> -> memref<128x128xi32, #tpu.memory_space<hbm>>
    %dma_start3A_159 = arith.constant 0 : i32
    %dma_start3A_160 = tpu.memref_slice %arg4[%add3A_151, %dma_start3A_159] : memref<16384x128xi32, #tpu.memory_space<hbm>> -> memref<128x128xi32, #tpu.memory_space<hbm>>
    %dma_start3A_161 = arith.constant 0 : i32
    %dma_start3A_162 = arith.constant 0 : i32
    %dma_start3A_163 = tpu.memref_slice %arg7[%dma_start3A_152, %dma_start3A_161, %dma_start3A_162] : memref<4x128x128xi32, #tpu.memory_space<vmem>> -> memref<1x128x128xi32, #tpu.memory_space<vmem>>
    %dma_start3A_164 = tpu.memref_squeeze %dma_start3A_163 : memref<1x128x128xi32, #tpu.memory_space<vmem>> -> memref<128x128xi32, #tpu.memory_space<vmem>>
    tpu.enqueue_dma source(%dma_start3A_164 : memref<128x128xi32, #tpu.memory_space<vmem>>) target(%dma_start3A_160 : memref<128x128xi32, #tpu.memory_space<hbm>>) target_semaphore(%arg9 : memref<!tpu.dma_semaphore, #tpu.memory_space<semaphore_mem>>)
    %dma_wait3A_165 = arith.constant 0 : i32
    %dma_wait3A_166 = arith.constant 0 : i32
    %dma_wait3A_167 = arith.constant 0 : i32
    %dma_wait3A_168 = tpu.memref_slice %arg7[%dma_wait3A_165, %dma_wait3A_166, %dma_wait3A_167] : memref<4x128x128xi32, #tpu.memory_space<vmem>> -> memref<1x128x128xi32, #tpu.memory_space<vmem>>
    %dma_wait3A_169 = tpu.memref_squeeze %dma_wait3A_168 : memref<1x128x128xi32, #tpu.memory_space<vmem>> -> memref<128x128xi32, #tpu.memory_space<vmem>>
    %dma_wait3A_170 = arith.constant 0 : i32
    %dma_wait3A_171 = tpu.memref_slice %arg4[%add3A_64, %dma_wait3A_170] : memref<16384x128xi32, #tpu.memory_space<hbm>> -> memref<128x128xi32, #tpu.memory_space<hbm>>
    %dma_wait3A_172 = arith.constant 0 : i32
    %dma_wait3A_173 = tpu.memref_slice %arg4[%add3A_64, %dma_wait3A_172] : memref<16384x128xi32, #tpu.memory_space<hbm>> -> memref<128x128xi32, #tpu.memory_space<hbm>>
    %dma_wait3A_174 = arith.constant 0 : i32
    %dma_wait3A_175 = arith.constant 0 : i32
    %dma_wait3A_176 = tpu.memref_slice %arg7[%dma_wait3A_165, %dma_wait3A_174, %dma_wait3A_175] : memref<4x128x128xi32, #tpu.memory_space<vmem>> -> memref<1x128x128xi32, #tpu.memory_space<vmem>>
    %dma_wait3A_177 = tpu.memref_squeeze %dma_wait3A_176 : memref<1x128x128xi32, #tpu.memory_space<vmem>> -> memref<128x128xi32, #tpu.memory_space<vmem>>
    tpu.wait_dma2 semaphore(%arg9 : memref<!tpu.dma_semaphore, #tpu.memory_space<semaphore_mem>>) src(%dma_wait3A_177 : memref<128x128xi32, #tpu.memory_space<vmem>>) dst(%dma_wait3A_173 : memref<128x128xi32, #tpu.memory_space<hbm>>)
    %dma_wait3A_178 = arith.constant 1 : i32
    %dma_wait3A_179 = arith.constant 0 : i32
    %dma_wait3A_180 = arith.constant 0 : i32
    %dma_wait3A_181 = tpu.memref_slice %arg7[%dma_wait3A_178, %dma_wait3A_179, %dma_wait3A_180] : memref<4x128x128xi32, #tpu.memory_space<vmem>> -> memref<1x128x128xi32, #tpu.memory_space<vmem>>
    %dma_wait3A_182 = tpu.memref_squeeze %dma_wait3A_181 : memref<1x128x128xi32, #tpu.memory_space<vmem>> -> memref<128x128xi32, #tpu.memory_space<vmem>>
    %dma_wait3A_183 = arith.constant 0 : i32
    %dma_wait3A_184 = tpu.memref_slice %arg4[%add3A_93, %dma_wait3A_183] : memref<16384x128xi32, #tpu.memory_space<hbm>> -> memref<128x128xi32, #tpu.memory_space<hbm>>
    %dma_wait3A_185 = arith.constant 0 : i32
    %dma_wait3A_186 = tpu.memref_slice %arg4[%add3A_93, %dma_wait3A_185] : memref<16384x128xi32, #tpu.memory_space<hbm>> -> memref<128x128xi32, #tpu.memory_space<hbm>>
    %dma_wait3A_187 = arith.constant 0 : i32
    %dma_wait3A_188 = arith.constant 0 : i32
    %dma_wait3A_189 = tpu.memref_slice %arg7[%dma_wait3A_178, %dma_wait3A_187, %dma_wait3A_188] : memref<4x128x128xi32, #tpu.memory_space<vmem>> -> memref<1x128x128xi32, #tpu.memory_space<vmem>>
    %dma_wait3A_190 = tpu.memref_squeeze %dma_wait3A_189 : memref<1x128x128xi32, #tpu.memory_space<vmem>> -> memref<128x128xi32, #tpu.memory_space<vmem>>
    tpu.wait_dma2 semaphore(%arg9 : memref<!tpu.dma_semaphore, #tpu.memory_space<semaphore_mem>>) src(%dma_wait3A_190 : memref<128x128xi32, #tpu.memory_space<vmem>>) dst(%dma_wait3A_186 : memref<128x128xi32, #tpu.memory_space<hbm>>)
    %dma_wait3A_191 = arith.constant 2 : i32
    %dma_wait3A_192 = arith.constant 0 : i32
    %dma_wait3A_193 = arith.constant 0 : i32
    %dma_wait3A_194 = tpu.memref_slice %arg7[%dma_wait3A_191, %dma_wait3A_192, %dma_wait3A_193] : memref<4x128x128xi32, #tpu.memory_space<vmem>> -> memref<1x128x128xi32, #tpu.memory_space<vmem>>
    %dma_wait3A_195 = tpu.memref_squeeze %dma_wait3A_194 : memref<1x128x128xi32, #tpu.memory_space<vmem>> -> memref<128x128xi32, #tpu.memory_space<vmem>>
    %dma_wait3A_196 = arith.constant 0 : i32
    %dma_wait3A_197 = tpu.memref_slice %arg4[%add3A_122, %dma_wait3A_196] : memref<16384x128xi32, #tpu.memory_space<hbm>> -> memref<128x128xi32, #tpu.memory_space<hbm>>
    %dma_wait3A_198 = arith.constant 0 : i32
    %dma_wait3A_199 = tpu.memref_slice %arg4[%add3A_122, %dma_wait3A_198] : memref<16384x128xi32, #tpu.memory_space<hbm>> -> memref<128x128xi32, #tpu.memory_space<hbm>>
    %dma_wait3A_200 = arith.constant 0 : i32
    %dma_wait3A_201 = arith.constant 0 : i32
    %dma_wait3A_202 = tpu.memref_slice %arg7[%dma_wait3A_191, %dma_wait3A_200, %dma_wait3A_201] : memref<4x128x128xi32, #tpu.memory_space<vmem>> -> memref<1x128x128xi32, #tpu.memory_space<vmem>>
    %dma_wait3A_203 = tpu.memref_squeeze %dma_wait3A_202 : memref<1x128x128xi32, #tpu.memory_space<vmem>> -> memref<128x128xi32, #tpu.memory_space<vmem>>
    tpu.wait_dma2 semaphore(%arg9 : memref<!tpu.dma_semaphore, #tpu.memory_space<semaphore_mem>>) src(%dma_wait3A_203 : memref<128x128xi32, #tpu.memory_space<vmem>>) dst(%dma_wait3A_199 : memref<128x128xi32, #tpu.memory_space<hbm>>)
    %dma_wait3A_204 = arith.constant 3 : i32
    %dma_wait3A_205 = arith.constant 0 : i32
    %dma_wait3A_206 = arith.constant 0 : i32
    %dma_wait3A_207 = tpu.memref_slice %arg7[%dma_wait3A_204, %dma_wait3A_205, %dma_wait3A_206] : memref<4x128x128xi32, #tpu.memory_space<vmem>> -> memref<1x128x128xi32, #tpu.memory_space<vmem>>
    %dma_wait3A_208 = tpu.memref_squeeze %dma_wait3A_207 : memref<1x128x128xi32, #tpu.memory_space<vmem>> -> memref<128x128xi32, #tpu.memory_space<vmem>>
    %dma_wait3A_209 = arith.constant 0 : i32
    %dma_wait3A_210 = tpu.memref_slice %arg4[%add3A_151, %dma_wait3A_209] : memref<16384x128xi32, #tpu.memory_space<hbm>> -> memref<128x128xi32, #tpu.memory_space<hbm>>
    %dma_wait3A_211 = arith.constant 0 : i32
    %dma_wait3A_212 = tpu.memref_slice %arg4[%add3A_151, %dma_wait3A_211] : memref<16384x128xi32, #tpu.memory_space<hbm>> -> memref<128x128xi32, #tpu.memory_space<hbm>>
    %dma_wait3A_213 = arith.constant 0 : i32
    %dma_wait3A_214 = arith.constant 0 : i32
    %dma_wait3A_215 = tpu.memref_slice %arg7[%dma_wait3A_204, %dma_wait3A_213, %dma_wait3A_214] : memref<4x128x128xi32, #tpu.memory_space<vmem>> -> memref<1x128x128xi32, #tpu.memory_space<vmem>>
    %dma_wait3A_216 = tpu.memref_squeeze %dma_wait3A_215 : memref<1x128x128xi32, #tpu.memory_space<vmem>> -> memref<128x128xi32, #tpu.memory_space<vmem>>
    tpu.wait_dma2 semaphore(%arg9 : memref<!tpu.dma_semaphore, #tpu.memory_space<semaphore_mem>>) src(%dma_wait3A_216 : memref<128x128xi32, #tpu.memory_space<vmem>>) dst(%dma_wait3A_212 : memref<128x128xi32, #tpu.memory_space<hbm>>)
    return
  }
}

module attributes {stable_mosaic.version = 14 : i64} {
  func.func @_unpack_kernel(%arg0: i32, %arg1: memref<8192x128xi32, #tpu.memory_space<vmem>>, %arg2: memref<1024x8192xi8, #tpu.memory_space<vmem>>) attributes {dimension_semantics = [#tpu.dimension_semantics<arbitrary>], iteration_bounds = array<i64: 2>, scalar_prefetch = 0 : i64, scratch_operands = 0 : i64, tpu.core_type = #tpu.core_type<tc>, window_params = [{transform_indices = @transform_0, window_bounds = array<i64: 8192, 128>}, {transform_indices = @transform_1, window_bounds = array<i64: 1024, 8192>}]} {
    %get3A = arith.constant 0 : index
    %get3A_0 = arith.constant 0 : index
    %get3A_1 = vector.load %arg1[%get3A, %get3A_0] : memref<8192x128xi32, #tpu.memory_space<vmem>>, vector<8192x128xi32>
    %transpose3A = tpu.transpose %get3A_1, [1, 0] : vector<8192x128xi32> -> vector<128x8192xi32>
    %shift_right_arithmetic3A = arith.constant 0 : i32
    %shift_right_arithmetic3A_2 = vector.broadcast %shift_right_arithmetic3A : i32 to vector<128x8192xi32>
    %shift_right_arithmetic3A_3 = arith.shrsi %transpose3A, %shift_right_arithmetic3A_2 : vector<128x8192xi32>
    %and3A = arith.constant 1 : i32
    %and3A_4 = vector.broadcast %and3A : i32 to vector<128x8192xi32>
    %and3A_5 = arith.andi %shift_right_arithmetic3A_3, %and3A_4 : vector<128x8192xi32>
    %convert_element_type3A = arith.trunci %and3A_5 : vector<128x8192xi32> to vector<128x8192xi8>
    %swap3A = arith.constant 0 : index
    %swap3A_6 = arith.constant 0 : index
    %swap3A_7 = vector.load %arg2[%swap3A, %swap3A_6] : memref<1024x8192xi8, #tpu.memory_space<vmem>>, vector<128x8192xi8>
    tpu.vector_store %arg2[%swap3A, %swap3A_6], %convert_element_type3A {strides = array<i32>} : memref<1024x8192xi8, #tpu.memory_space<vmem>>, vector<128x8192xi8>,
    %shift_right_arithmetic3A_8 = arith.constant 1 : i32
    %shift_right_arithmetic3A_9 = vector.broadcast %shift_right_arithmetic3A_8 : i32 to vector<128x8192xi32>
    %shift_right_arithmetic3A_10 = arith.shrsi %transpose3A, %shift_right_arithmetic3A_9 : vector<128x8192xi32>
    %and3A_11 = arith.constant 1 : i32
    %and3A_12 = vector.broadcast %and3A_11 : i32 to vector<128x8192xi32>
    %and3A_13 = arith.andi %shift_right_arithmetic3A_10, %and3A_12 : vector<128x8192xi32>
    %convert_element_type3A_14 = arith.trunci %and3A_13 : vector<128x8192xi32> to vector<128x8192xi8>
    %swap3A_15 = arith.constant 128 : index
    %swap3A_16 = arith.constant 0 : index
    %swap3A_17 = vector.load %arg2[%swap3A_15, %swap3A_16] : memref<1024x8192xi8, #tpu.memory_space<vmem>>, vector<128x8192xi8>
    tpu.vector_store %arg2[%swap3A_15, %swap3A_16], %convert_element_type3A_14 {strides = array<i32>} : memref<1024x8192xi8, #tpu.memory_space<vmem>>, vector<128x8192xi8>,
    %shift_right_arithmetic3A_18 = arith.constant 2 : i32
    %shift_right_arithmetic3A_19 = vector.broadcast %shift_right_arithmetic3A_18 : i32 to vector<128x8192xi32>
    %shift_right_arithmetic3A_20 = arith.shrsi %transpose3A, %shift_right_arithmetic3A_19 : vector<128x8192xi32>
    %and3A_21 = arith.constant 1 : i32
    %and3A_22 = vector.broadcast %and3A_21 : i32 to vector<128x8192xi32>
    %and3A_23 = arith.andi %shift_right_arithmetic3A_20, %and3A_22 : vector<128x8192xi32>
    %convert_element_type3A_24 = arith.trunci %and3A_23 : vector<128x8192xi32> to vector<128x8192xi8>
    %swap3A_25 = arith.constant 256 : index
    %swap3A_26 = arith.constant 0 : index
    %swap3A_27 = vector.load %arg2[%swap3A_25, %swap3A_26] : memref<1024x8192xi8, #tpu.memory_space<vmem>>, vector<128x8192xi8>
    tpu.vector_store %arg2[%swap3A_25, %swap3A_26], %convert_element_type3A_24 {strides = array<i32>} : memref<1024x8192xi8, #tpu.memory_space<vmem>>, vector<128x8192xi8>,
    %shift_right_arithmetic3A_28 = arith.constant 3 : i32
    %shift_right_arithmetic3A_29 = vector.broadcast %shift_right_arithmetic3A_28 : i32 to vector<128x8192xi32>
    %shift_right_arithmetic3A_30 = arith.shrsi %transpose3A, %shift_right_arithmetic3A_29 : vector<128x8192xi32>
    %and3A_31 = arith.constant 1 : i32
    %and3A_32 = vector.broadcast %and3A_31 : i32 to vector<128x8192xi32>
    %and3A_33 = arith.andi %shift_right_arithmetic3A_30, %and3A_32 : vector<128x8192xi32>
    %convert_element_type3A_34 = arith.trunci %and3A_33 : vector<128x8192xi32> to vector<128x8192xi8>
    %swap3A_35 = arith.constant 384 : index
    %swap3A_36 = arith.constant 0 : index
    %swap3A_37 = vector.load %arg2[%swap3A_35, %swap3A_36] : memref<1024x8192xi8, #tpu.memory_space<vmem>>, vector<128x8192xi8>
    tpu.vector_store %arg2[%swap3A_35, %swap3A_36], %convert_element_type3A_34 {strides = array<i32>} : memref<1024x8192xi8, #tpu.memory_space<vmem>>, vector<128x8192xi8>,
    %shift_right_arithmetic3A_38 = arith.constant 4 : i32
    %shift_right_arithmetic3A_39 = vector.broadcast %shift_right_arithmetic3A_38 : i32 to vector<128x8192xi32>
    %shift_right_arithmetic3A_40 = arith.shrsi %transpose3A, %shift_right_arithmetic3A_39 : vector<128x8192xi32>
    %and3A_41 = arith.constant 1 : i32
    %and3A_42 = vector.broadcast %and3A_41 : i32 to vector<128x8192xi32>
    %and3A_43 = arith.andi %shift_right_arithmetic3A_40, %and3A_42 : vector<128x8192xi32>
    %convert_element_type3A_44 = arith.trunci %and3A_43 : vector<128x8192xi32> to vector<128x8192xi8>
    %swap3A_45 = arith.constant 512 : index
    %swap3A_46 = arith.constant 0 : index
    %swap3A_47 = vector.load %arg2[%swap3A_45, %swap3A_46] : memref<1024x8192xi8, #tpu.memory_space<vmem>>, vector<128x8192xi8>
    tpu.vector_store %arg2[%swap3A_45, %swap3A_46], %convert_element_type3A_44 {strides = array<i32>} : memref<1024x8192xi8, #tpu.memory_space<vmem>>, vector<128x8192xi8>,
    %shift_right_arithmetic3A_48 = arith.constant 5 : i32
    %shift_right_arithmetic3A_49 = vector.broadcast %shift_right_arithmetic3A_48 : i32 to vector<128x8192xi32>
    %shift_right_arithmetic3A_50 = arith.shrsi %transpose3A, %shift_right_arithmetic3A_49 : vector<128x8192xi32>
    %and3A_51 = arith.constant 1 : i32
    %and3A_52 = vector.broadcast %and3A_51 : i32 to vector<128x8192xi32>
    %and3A_53 = arith.andi %shift_right_arithmetic3A_50, %and3A_52 : vector<128x8192xi32>
    %convert_element_type3A_54 = arith.trunci %and3A_53 : vector<128x8192xi32> to vector<128x8192xi8>
    %swap3A_55 = arith.constant 640 : index
    %swap3A_56 = arith.constant 0 : index
    %swap3A_57 = vector.load %arg2[%swap3A_55, %swap3A_56] : memref<1024x8192xi8, #tpu.memory_space<vmem>>, vector<128x8192xi8>
    tpu.vector_store %arg2[%swap3A_55, %swap3A_56], %convert_element_type3A_54 {strides = array<i32>} : memref<1024x8192xi8, #tpu.memory_space<vmem>>, vector<128x8192xi8>,
    %shift_right_arithmetic3A_58 = arith.constant 6 : i32
    %shift_right_arithmetic3A_59 = vector.broadcast %shift_right_arithmetic3A_58 : i32 to vector<128x8192xi32>
    %shift_right_arithmetic3A_60 = arith.shrsi %transpose3A, %shift_right_arithmetic3A_59 : vector<128x8192xi32>
    %and3A_61 = arith.constant 1 : i32
    %and3A_62 = vector.broadcast %and3A_61 : i32 to vector<128x8192xi32>
    %and3A_63 = arith.andi %shift_right_arithmetic3A_60, %and3A_62 : vector<128x8192xi32>
    %convert_element_type3A_64 = arith.trunci %and3A_63 : vector<128x8192xi32> to vector<128x8192xi8>
    %swap3A_65 = arith.constant 768 : index
    %swap3A_66 = arith.constant 0 : index
    %swap3A_67 = vector.load %arg2[%swap3A_65, %swap3A_66] : memref<1024x8192xi8, #tpu.memory_space<vmem>>, vector<128x8192xi8>
    tpu.vector_store %arg2[%swap3A_65, %swap3A_66], %convert_element_type3A_64 {strides = array<i32>} : memref<1024x8192xi8, #tpu.memory_space<vmem>>, vector<128x8192xi8>,
    %shift_right_arithmetic3A_68 = arith.constant 7 : i32
    %shift_right_arithmetic3A_69 = vector.broadcast %shift_right_arithmetic3A_68 : i32 to vector<128x8192xi32>
    %shift_right_arithmetic3A_70 = arith.shrsi %transpose3A, %shift_right_arithmetic3A_69 : vector<128x8192xi32>
    %and3A_71 = arith.constant 1 : i32
    %and3A_72 = vector.broadcast %and3A_71 : i32 to vector<128x8192xi32>
    %and3A_73 = arith.andi %shift_right_arithmetic3A_70, %and3A_72 : vector<128x8192xi32>
    %convert_element_type3A_74 = arith.trunci %and3A_73 : vector<128x8192xi32> to vector<128x8192xi8>
    %swap3A_75 = arith.constant 896 : index
    %swap3A_76 = arith.constant 0 : index
    %swap3A_77 = vector.load %arg2[%swap3A_75, %swap3A_76] : memref<1024x8192xi8, #tpu.memory_space<vmem>>, vector<128x8192xi8>
    tpu.vector_store %arg2[%swap3A_75, %swap3A_76], %convert_element_type3A_74 {strides = array<i32>} : memref<1024x8192xi8, #tpu.memory_space<vmem>>, vector<128x8192xi8>,
    return
  }
  func.func @transform_0(%arg0: i32) -> (i32, i32) {
    %c0_i32 = arith.constant 0 : i32
    %c0_i32_0 = arith.constant 0 : i32
    return %arg0, %c0_i32 : i32, i32
  }
  func.func @transform_1(%arg0: i32) -> (i32, i32) {
    %c0_i32 = arith.constant 0 : i32
    %c0_i32_0 = arith.constant 0 : i32
    return %c0_i32, %arg0 : i32, i32
  }
}

module attributes {stable_mosaic.version = 14 : i64} {
  func.func @_table_kernel(%arg0: memref<100x400xf32, #tpu.memory_space<vmem>>, %arg1: memref<400x1000xf32, #tpu.memory_space<vmem>>, %arg2: memref<1x1000xf32, #tpu.memory_space<vmem>>, %arg3: memref<100x128xi32, #tpu.memory_space<vmem>>) attributes {dimension_semantics = [], scalar_prefetch = 0 : i64, scratch_operands = 0 : i64, tpu.core_type = #tpu.core_type<tc>} {
    %get3A = arith.constant 0 : index
    %get3A_0 = arith.constant 0 : index
    %get3A_1 = vector.load %arg0[%get3A, %get3A_0] : memref<100x400xf32, #tpu.memory_space<vmem>>, vector<100x400xf32>
    %get3A_2 = arith.constant 0 : index
    %get3A_3 = arith.constant 0 : index
    %get3A_4 = vector.load %arg1[%get3A_2, %get3A_3] : memref<400x1000xf32, #tpu.memory_space<vmem>>, vector<400x1000xf32>
    %dot_general3A = arith.constant dense<0.000000e+00> : vector<100x1000xf32>
    %dot_general3A_5 = tpu.matmul %get3A_1, %get3A_4, %dot_general3A {dimension_numbers = #tpu.dot_dimension_numbers<[1], [0], [0], [1], [0, 0, 1, 1], [], []>, transpose_lhs_hint = false} : vector<100x400xf32>, vector<400x1000xf32>, vector<100x1000xf32> -> vector<100x1000xf32>
    %get3A_6 = arith.constant 0 : index
    %get3A_7 = arith.constant 0 : index
    %get3A_8 = vector.load %arg2[%get3A_6, %get3A_7] : memref<1x1000xf32, #tpu.memory_space<vmem>>, vector<1x1000xf32>
    %add3A = vector.broadcast %get3A_8 : vector<1x1000xf32> to vector<100x1000xf32>
    %add3A_9 = arith.addf %dot_general3A_5, %add3A : vector<100x1000xf32>
    %gt3A = arith.constant 0.000000e+00 : f32
    %gt3A_10 = vector.broadcast %gt3A : f32 to vector<100x1000xf32>
    %gt3A_11 = arith.cmpf ogt, %add3A_9, %gt3A_10 : vector<100x1000xf32>
    %convert_element_type3A = arith.extui %gt3A_11 : vector<100x1000xi1> to vector<100x1000xi32>
    %convert_element_type3A_12 = arith.sitofp %convert_element_type3A : vector<100x1000xi32> to vector<100x1000xf32>
    %iota3A = tpu.iota {dimensions = array<i32: 0>} : vector<1000x128xi32>
    %iota3A_13 = tpu.iota {dimensions = array<i32: 1>} : vector<1000x128xi32>
    %jit3A = arith.constant 128 : i32
    %eq3A = arith.constant 0 : i32
    %eq3A_14 = arith.cmpi eq, %jit3A, %eq3A : i32
    %jit3A_15 = arith.constant 1 : i32
    %select_n3A = arith.select %eq3A_14, %jit3A_15, %jit3A : i32
    %rem3A = vector.broadcast %select_n3A : i32 to vector<1000x128xi32>
    %rem3A_16 = arith.remsi %iota3A, %rem3A : vector<1000x128xi32>
    %ne3A = arith.constant 0 : i32
    %ne3A_17 = vector.broadcast %ne3A : i32 to vector<1000x128xi32>
    %ne3A_18 = arith.cmpi ne, %rem3A_16, %ne3A_17 : vector<1000x128xi32>
    %lt3A = arith.constant 0 : i32
    %lt3A_19 = vector.broadcast %lt3A : i32 to vector<1000x128xi32>
    %lt3A_20 = arith.cmpi slt, %rem3A_16, %lt3A_19 : vector<1000x128xi32>
    %lt3A_21 = arith.constant 0 : i32
    %lt3A_22 = arith.cmpi slt, %select_n3A, %lt3A_21 : i32
    %ne3A_23 = vector.broadcast %lt3A_22 : i1 to vector<1000x128xi1>
    %ne3A_24 = vector.broadcast %ne3A_23 : vector<1000x128xi1> to vector<1000x128xi1>
    %ne3A_25 = arith.xori %lt3A_20, %ne3A_24 : vector<1000x128xi1>
    %and3A = arith.andi %ne3A_25, %ne3A_18 : vector<1000x128xi1>
    %add3A_26 = vector.broadcast %select_n3A : i32 to vector<1000x128xi32>
    %add3A_27 = arith.addi %rem3A_16, %add3A_26 : vector<1000x128xi32>
    %select_n3A_28 = arith.select %and3A, %add3A_27, %rem3A_16 : vector<1000x128xi1>, vector<1000x128xi32>
    %eq3A_29 = arith.cmpi eq, %select_n3A_28, %iota3A_13 : vector<1000x128xi32>
    %jit3A_30 = arith.constant 128 : i32
    %div3A = vector.broadcast %jit3A_30 : i32 to vector<1000x128xi32>
    %div3A_31 = arith.divsi %iota3A, %div3A : vector<1000x128xi32>
    %sign3A = arith.constant 0 : i32
    %sign3A_32 = vector.broadcast %sign3A : i32 to vector<1000x128xi32>
    %sign3A_33 = arith.cmpi sgt, %iota3A, %sign3A_32 : vector<1000x128xi32>
    %sign3A_34 = arith.extui %sign3A_33 : vector<1000x128xi1> to vector<1000x128xi32>
    %sign3A_35 = arith.constant 0 : i32
    %sign3A_36 = vector.broadcast %sign3A_35 : i32 to vector<1000x128xi32>
    %sign3A_37 = arith.cmpi slt, %iota3A, %sign3A_36 : vector<1000x128xi32>
    %sign3A_38 = arith.extui %sign3A_37 : vector<1000x128xi1> to vector<1000x128xi32>
    %sign3A_39 = arith.subi %sign3A_34, %sign3A_38 : vector<1000x128xi32>
    %sign3A_40 = arith.constant 0 : i32
    %sign3A_41 = arith.cmpi sgt, %jit3A_30, %sign3A_40 : i32
    %sign3A_42 = arith.extui %sign3A_41 : i1 to i32
    %sign3A_43 = arith.constant 0 : i32
    %sign3A_44 = arith.cmpi slt, %jit3A_30, %sign3A_43 : i32
    %sign3A_45 = arith.extui %sign3A_44 : i1 to i32
    %sign3A_46 = arith.subi %sign3A_42, %sign3A_45 : i32
    %ne3A_47 = vector.broadcast %sign3A_46 : i32 to vector<1000x128xi32>
    %ne3A_48 = arith.cmpi ne, %sign3A_39, %ne3A_47 : vector<1000x128xi32>
    %rem3A_49 = vector.broadcast %jit3A_30 : i32 to vector<1000x128xi32>
    %rem3A_50 = arith.remsi %iota3A, %rem3A_49 : vector<1000x128xi32>
    %ne3A_51 = arith.constant 0 : i32
    %ne3A_52 = vector.broadcast %ne3A_51 : i32 to vector<1000x128xi32>
    %ne3A_53 = arith.cmpi ne, %rem3A_50, %ne3A_52 : vector<1000x128xi32>
    %and3A_54 = arith.andi %ne3A_48, %ne3A_53 : vector<1000x128xi1>
    %sub3A = arith.constant 1 : i32
    %sub3A_55 = vector.broadcast %sub3A : i32 to vector<1000x128xi32>
    %sub3A_56 = arith.subi %div3A_31, %sub3A_55 : vector<1000x128xi32>
    %select_n3A_57 = arith.select %and3A_54, %sub3A_56, %div3A_31 : vector<1000x128xi1>, vector<1000x128xi32>
    %shift_left3A = arith.constant 1 : i32
    %shift_left3A_58 = vector.broadcast %shift_left3A : i32 to vector<1000x128xi32>
    %shift_left3A_59 = arith.shli %shift_left3A_58, %select_n3A_57 : vector<1000x128xi32>
    %jit3A_60 = arith.constant 0 : i32
    %broadcast_in_dim3A = vector.broadcast %jit3A_60 : i32 to vector<1000x128xi32>
    %select_n3A_61 = arith.select %eq3A_29, %shift_left3A_59, %broadcast_in_dim3A : vector<1000x128xi1>, vector<1000x128xi32>
    %convert_element_type3A_62 = arith.sitofp %select_n3A_61 : vector<1000x128xi32> to vector<1000x128xf32>
    %dot_general3A_63 = arith.constant dense<0.000000e+00> : vector<100x128xf32>
    %dot_general3A_64 = tpu.matmul %convert_element_type3A_12, %convert_element_type3A_62, %dot_general3A_63 {dimension_numbers = #tpu.dot_dimension_numbers<[1], [0], [0], [1], [0, 0, 1, 1], [], []>, transpose_lhs_hint = false} : vector<100x1000xf32>, vector<1000x128xf32>, vector<100x128xf32> -> vector<100x128xf32>
    %convert_element_type3A_65 = arith.fptosi %dot_general3A_64 : vector<100x128xf32> to vector<100x128xi32>
    %swap3A = arith.constant 0 : index
    %swap3A_66 = arith.constant 0 : index
    %swap3A_67 = vector.load %arg3[%swap3A, %swap3A_66] : memref<100x128xi32, #tpu.memory_space<vmem>>, vector<100x128xi32>
    tpu.vector_store %arg3[%swap3A, %swap3A_66], %convert_element_type3A_65 {strides = array<i32>} : memref<100x128xi32, #tpu.memory_space<vmem>>, vector<100x128xi32>,
    return
  }
}

</mosaic_0001>

<sc_bundles>
// kernel: kernel.5.cloned.1.call-start
scs
__scs_entry_jumppad:
0x0: {  	(pc) =	sbr.rel $0x88, $3  }
0x1: {  	(tag) =	ssettag $0x0;
	lr =	simm.s32 $0x1  }
0x2: {  	[smem:$0x3F9D] =	sst lr;
	_ =	strace $0xD0000000  }
0x3: {  	_ = 	snop  }
0x4: {  	_ = 	snop  }
0x5: {  	_ = 	snop  }
0x6: {  	_ = 	snop  }
0x7: {  	_ = 	snop  }
__scs_overlays_trampoline_lowered:
0x8: {  	[smem:$0x3FAC] =	sst s0  }
0x9: {  	[smem:$0x3FAD] =	sst s1  }
0xa: {  	[smem:$0x3FAE] =	sst s2  }
0xb: {  	[smem:$0x3FAF] =	sst s3  }
0xc: {  	[smem:$0x3FB0] =	sst s4  }
0xd: {  	[smem:$0x3FB1] =	sst s5  }
0xe: {  	[smem:$0x3FB2] =	sst s6  }
0xf: {  	[smem:$0x3FB3] =	sst s7  }
0x10: {  	[smem:$0x3FB4] =	sst s8  }
0x11: {  	[smem:$0x3FB5] =	sst s9;
	s0 =	simm.s32 @!p0 $0x0  }
0x12: {  	s1 =	sld [smem:$0x3F9B];
	s0 =	simm.s32 @p0 $0x1  }
0x13: {  	[smem:$0x3FB6] =	sst s0;
	s0 =	simm.s32 @!p1 $0x0  }
0x14: {  	s2 =	sld [smem:$0x3F9A];
	s0 =	simm.s32 @p1 $0x1  }
0x15: {  	[smem:$0x3FB7] =	sst s0;
	s0 =	simm.s32 @!p2 $0x0  }
0x16: {  	s3 =	sld [smem:$0x3FDB];
	s0 =	simm.s32 @p2 $0x1  }
0x17: {  	s4 =	simm.s32 $0x1BF5;
	[smem:$0x3FB9] =	sst s0  }
0x18: {  	s0 =	sld [smem:$0x3F9C];
	_ =	swait.ge [sflag:s4], $0x0  }
0x19: {  	s7 =	sld [smem:$0x3F9D]  }
0x1a: {  	s8 =	sadd.s32 $0xFFFFE003, lr  }
0x1b: {  	s9 =	sadd.s32 $0xFFFFFEF7, lr;
	s5 =	simm.s32 $0xFFFFFFFF;
	p2 =	slt.u32 s8, $0xFFFFF086  }
0x1c: {  	p1 =	slt.u32 s9, $0xF7A;
	s5 =	simm.s32 @!p2 $0x0  }
0x1d: {  	s5 =	simm.s32 @p1 $0x1;
	p0 =	seq.s32 s7, s2  }
0x1e: {  	s7 =	smul.u32 @!p0 $0xF7A, s2;
	p2 =	seq.s32 @!p0 s5, $0x0  }
0x1f: {  	s9 =	smul.u32 $0xF7A, s1;
	s8 =	simm.s32 @!p0 $0x1BF5;
	p2 =	por !p2, p0  }
0x20: {  	[sflag:s8] =	ssyncset.s32 @!p0 $0xFFFFF086;
	s6 =	sadd.s32 @!p0 s3, s7;
	s7 =	simm.s32 @!p0 $0x108  }
0x21: {  	s3 =	sadd.s32 s3, s9;
	s6 =	sadd.s32 @!p0 $0x88, s6;
	s7 =	simm.s32 @p2 $0x1082  }
0x22: {  	[simem:s7], [sflag:s8] =	dma.local @!p0 [hbm:s6], $0xF7A  }
0x23: {  	s9 =	sor.u32 $0xD0000000, s2;
	s6 =	simm.s32 $0x108;
	_ =	swait.ge @!p0 [sflag:s8], $0x0  }
0x24: {  	s3 =	sadd.s32 $0x88, s3;
	s6 =	simm.s32 @!p1 $0x1082;
	[sflag:s4] =	ssyncset.s32 $0xFFFFF086  }
0x25: {  	[simem:s6], [sflag:s4] =	dma.local [hbm:s3], $0xF7A  }
0x26: {  	[smem:$0x3F9D] =	sst s1;
	(tag) =	ssettag s2;
	_ =	strace s9  }
0x27: {  	s1 =	sld [smem:$0x3FAD]  }
0x28: {  	s2 =	sld [smem:$0x3FAE]  }
0x29: {  	s4 =	sld [smem:$0x3FB0]  }
0x2a: {  	p0 =	seq.s32 s5, $0x0;
	s5 =	sld [smem:$0x3FB1]  }
0x2b: {  	s6 =	sld [smem:$0x3FB2]  }
0x2c: {  	s7 =	sld [smem:$0x3FB3]  }
0x2d: {  	s3 =	simm.s32 $0x108;
	s8 =	sld [smem:$0x3FB4]  }
0x2e: {  	s3 =	simm.s32 @!p0 $0x1082;
	s9 =	sld [smem:$0x3FB5]  }
0x2f: {  	lr =	sadd.s32 s0, s3;
	s0 =	sld [smem:$0x3FAC]  }
0x30: {  	s3 =	sld [smem:$0x3FAF]  }
0x31: {  	[smem:$0x3FB8] =	sst s10  }
0x32: {  	s10 =	sld [smem:$0x3FB6];
	_ =	sdelay $0x3  }
0x33: {  	p0 =	seq.s32 s10, $0x1;
	s10 =	sld [smem:$0x3FB8];
	_ =	sdelay $0x3  }
0x34: {  	[smem:$0x3FB8] =	sst s10  }
0x35: {  	s10 =	sld [smem:$0x3FB7];
	_ =	sdelay $0x3  }
0x36: {  	p1 =	seq.s32 s10, $0x1;
	s10 =	sld [smem:$0x3FB8];
	_ =	sdelay $0x3  }
0x37: {  	[smem:$0x3FB8] =	sst s10  }
0x38: {  	s10 =	sld [smem:$0x3FB9]  }
0x39: {  	_ = 	snop;
	(pc) =	sbr.ind lr, $3  }
0x3a: {  	_ = 	snop  }
0x3b: {  	_ = 	snop  }
0x3c: {  	p2 =	seq.s32 s10, $0x1;
	s10 =	sld [smem:$0x3FB8]  }
0x3d: {  	_ =	shalt  }
0x3e: {  	_ =	shalt  }
0x3f: {  	_ =	shalt  }
0x40: {  	_ =	shalt  }
0x41: {  	_ =	shalt  }
0x42: {  	_ =	shalt  }
0x43: {  	_ =	shalt  }
0x44: {  	_ =	shalt  }
0x45: {  	_ =	shalt  }
0x46: {  	_ =	shalt  }
0x47: {  	_ =	shalt  }
0x48: {  	_ =	shalt  }
0x49: {  	_ =	shalt  }
0x4a: {  	_ =	shalt  }
0x4b: {  	_ =	shalt  }
0x4c: {  	_ =	shalt  }
0x4d: {  	_ =	shalt  }
0x4e: {  	_ =	shalt  }
0x4f: {  	_ =	shalt  }
0x50: {  	_ =	shalt  }
0x51: {  	_ =	shalt  }
0x52: {  	_ =	shalt  }
0x53: {  	_ =	shalt  }
0x54: {  	_ =	shalt  }
0x55: {  	_ =	shalt  }
0x56: {  	_ =	shalt  }
0x57: {  	_ =	shalt  }
0x58: {  	_ =	shalt  }
0x59: {  	_ =	shalt  }
0x5a: {  	_ =	shalt  }
0x5b: {  	_ =	shalt  }
0x5c: {  	_ =	shalt  }
0x5d: {  	_ =	shalt  }
0x5e: {  	_ =	shalt  }
0x5f: {  	_ =	shalt  }
0x60: {  	_ =	shalt  }
0x61: {  	_ =	shalt  }
0x62: {  	_ =	shalt  }
0x63: {  	_ =	shalt  }
0x64: {  	_ =	shalt  }
0x65: {  	_ =	shalt  }
0x66: {  	_ =	shalt  }
0x67: {  	_ =	shalt  }
0x68: {  	_ =	shalt  }
0x69: {  	_ =	shalt  }
0x6a: {  	_ =	shalt  }
0x6b: {  	_ =	shalt  }
0x6c: {  	_ =	shalt  }
0x6d: {  	_ =	shalt  }
0x6e: {  	_ =	shalt  }
0x6f: {  	_ =	shalt  }
0x70: {  	_ =	shalt  }
0x71: {  	_ =	shalt  }
0x72: {  	_ =	shalt  }
0x73: {  	_ =	shalt  }
0x74: {  	_ =	shalt  }
0x75: {  	_ =	shalt  }
0x76: {  	_ =	shalt  }
0x77: {  	_ =	shalt  }
0x78: {  	_ =	shalt  }
0x79: {  	_ =	shalt  }
0x7a: {  	_ =	shalt  }
0x7b: {  	_ =	shalt  }
0x7c: {  	_ =	shalt  }
0x7d: {  	_ =	shalt  }
0x7e: {  	_ =	shalt  }
0x7f: {  	_ =	shalt  }
0x80: {  	_ =	shalt  }
0x81: {  	_ =	shalt  }
0x82: {  	_ =	shalt  }
0x83: {  	_ =	shalt  }
0x84: {  	_ =	shalt  }
0x85: {  	_ =	shalt  }
0x86: {  	_ =	shalt  }
0x87: {  	_ =	shalt  }
.Lfunc_end0:
.L_simem_size_0:
called_computation_lowered:
.L_overlay_start_0:
0x88: {  	s2 =	sld [smem:$0x3FD9]  }
0x89: {  	s3 =	sld [smem:$0x3FFE];
	_ =	sdelay $0x1  }
0x8a: {  	s1 =	srdreg.scid  }
0x8b: {  	s0 =	sand.u32 $0x1, s1  }
0x8c: {  	s17 =	sshll.u32 s0, $0xA;
	s2 =	sadd.s32 s3, s2  }
0x8d: {  	s2 =	sadd.s32 s2, s17  }
0x8e: {  	[smem:$0x3FC4] =	sst s2  }
0x8f: {  	_ = 	snop  }
0x90: {  	s2 =	sld [smem:$0x3FC9]  }
0x91: {  	s18 =	sld [smem:$0x3FD0];
	(tm) =	ssettm $0x1  }
0x92: {  	s4 =	sld [smem:$0x3FFB];
	_ =	sdelay $0x3  }
0x93: {  	_ =	strace s4  }
0x94: {  	s4 =	sld [smem:$0x3FFC];
	_ =	sdelay $0x3  }
0x95: {  	_ =	strace s4  }
0x96: {  	s4 =	sld [smem:$0x3FFD];
	_ =	sdelay $0x3  }
0x97: {  	_ =	strace s4  }
0x98: {  	_ =	strace $0x8FFFFFFF  }
0x99: {  	s19 =	sld [smem:$0x3FDB];
	_ =	sdelay $0x1  }
0x9a: {  	s5 =	simm.s32 $_scs_section_size  }
0x9b: {  	s6 =	simm.s32 $_size__tile_overlayer_lowered;
	s7 =	simm.s32 $_tile_overlayer_lowered  }
0x9c: {  	s22 =	simm.s32 $0x1BFF;
	s21 =	sshll.u32 s7, $0x1;
	s4 =	sadd.s32 s5, s19  }
0x9d: {  	s8 =	simm.s32 $0x0;
	s20 =	sshll.u32 s6, $0x1;
	s6 =	sadd.s32 s21, s4  }
0x9e: {  	[timem:s8], [sflag:s22] =	dma.local [hbm:s6], s20  }
0x9f: {  	_ =	swait.ge [sflag:s22], s20  }
0xa0: {  	s5 =	ssub.s32 $0x0, s20;
	[sflag:s22] =	ssyncset.done $0x0  }
0xa1: {  	[sflag:s22] =	ssyncadd.s32 s5;
	_ =	sdelay $0x1  }
0xa2: {  	s23 =	simm.s32 $0x1B8B  }
0xa3: {  	_ =	swait.ge [sflag:s23], $0x1  }
0xa4: {  	[sflag:s23] =	ssyncset.done $0x0  }
0xa5: {  	s25 =	simm.s32 $0x1B8E;
	s24 =	sld [smem:$0x3FFE];
	[sflag:s23] =	ssyncadd.s32 $0xFFFFFFFF  }
0xa6: {  	s26 =	simm.s32 $execute0_lowered;
	[smem:$0x3FD2] =	sst s25  }
0xa7: {  	s6 =	sshll.u32 s26, $0x1;
	_ =	strace $0x80000046;
	[dreg:$0x1] =	wrdreg $0xFFFFFFFF  }
0xa8: {  	s28 =	simm.s32 $_size_execute0_lowered;
	s4 =	sadd.s32 s4, s6;
	[dreg:$0x0] =	wrdreg $0x0  }
0xa9: {  	s6 =	sshll.u32 s28, $0x1;
	[dreg:$0x2] =	wrdreg s4  }
0xaa: {  	[dreg:$0x3] =	wrdreg s6  }
0xab: {  	[dreg:$0x4] =	wrdreg $0xC0  }
0xac: {  	_ =	task [dreg:s8], $0x5FFFF  }
0xad: {  	[dreg:$0x1] =	wrdreg $0xFFFFFFFF  }
0xae: {  	[dreg:$0x0] =	wrdreg $0x60  }
0xaf: {  	[dreg:$0x2] =	wrdreg s24  }
0xb0: {  	[dreg:$0x3] =	wrdreg s2  }
0xb1: {  	[dreg:$0x4] =	wrdreg s18  }
0xb2: {  	[dreg:$0x5] =	wrdreg $0x0  }
0xb3: {  	[dreg:$0x6] =	wrdreg $0x9  }
0xb4: {  	_ =	task.clear_ibuf [dreg:s8], $0x7FFFF;
	_ =	strace $0x90000046  }
0xb5: {  	s29 =	simm.s32 $0x9;
	_ =	strace $0x80000048  }
0xb6: {  	_ =	swait.ge [sflag:s29], $0x1  }
0xb7: {  	[sflag:s29] =	ssyncadd.s32 $0xFFFFFFFF  }
0xb8: {  	_ =	strace $0x90000048  }
0xb9: {  	_ =	sfence  }
0xba: {  	s30 =	sld [smem:$0x0];
	_ =	sdelay $0x2  }
0xbb: {  	s31 =	sshll.u32 s1, $0xD;
	s1 =	sshrl.u32 s1, $0x2  }
0xbc: {  	s3 =	sand.u32 $0x4000, s31;
	s1 =	sadd.s32 s1, s30  }
0xbd: {  	s0 =	sor.u32 s3, s0;
	s1 =	sshll.u32 s1, $0x11  }
0xbe: {  	s0 =	sor.u32 s1, s0  }
0xbf: {  	s0 =	sadd.s32 $0x8F2B, s0  }
0xc0: {  	[sflag:s0] =	ssyncadd.remote.s32 $0x1  }
0xc1: {  	_ =	sfence.sel $0xFFFF  }
0xc2: {  	[dreg:$0x0] =	wrdreg $0xFFFFFFFF;
	(pc) =	sbr.abs _section_cstart, $3  }
0xc3: {  	[dreg:$0x1] =	wrdreg $0xFFFFFFFF  }
0xc4: {  	_ =	task.clear_ibuf [dreg:s8], $0x2FFFF;
	_ =	strace $0x9FFFFFFF  }
0xc5: {  	(tm) =	ssettm $0x7FFFFFFF  }
tec
execute0_lowered:
.L_overlay_start_1:
0x0: {  	(tag) =	ssettag $0x1  }
0x1: {  	s3 =	rddreg [dreg:$0x0]  }
0x2: {  	s4 =	rddreg [dreg:$0x1]  }
0x3: {  	s5 =	rddreg [dreg:$0x2]  }
0x4: {  	s2 =	rddreg [dreg:$0x3]  }
0x5: {  	s0 =	rddreg [dreg:$0x4]  }
0x6: {  	s1 =	simm.s32 $0x0;
	s6 =	srdreg.scid;
	s8 =	stileid.u32  }
0x7: {  	s16 =	simm.s32 $0x320;
	s17 =	simm.s32 $0x3;
	s6 =	sand.u32 $0x1, s6  }
0x8: {  	s15 =	simm.s32 $0x80;
	s13 =	simm.s32 $0x520;
	s28 =	ssub.s32 $0x2, s6  }
0x9: {  	s18 =	simm.s32 $0x3A0;
	s19 =	simm.s32 $0x420;
	s30 =	sshrl.u32 s28, $0x1  }
0xa: {  	s20 =	simm.s32 $0x4A0;
	s12 =	simm.s32 $0x1;
	s11 =	ssub.s32 s28, s30  }
0xb: {  	p1 =	por $0x0, $0x0;
	[smem:$0x7FF] =	sst s1;
	s31 =	smax.u32 s11, $0x1  }
0xc: {  	s7 =	sshll.u32 s8, $0xA;
	s10 =	sadd.s32 $0xC00, s3;
	s24 =	sadd.s32 $0xFFFFFFFF, s31  }
0xd: {  	p0 =	sne.s32 s8, $0x0;
	s9 =	sshll.u32 s6, $0x9;
	p2 =	sne.s32 s24, $0x0  }
.Ltmp0:
0xe: {  	s8 =	simm.s32 $0xC520;
	s29 =	sor.u32 s9, s7;
	(pc) =	sbr.rel @!p2 .LBB2_3-.Ltmp0, $4  }
0xf: {  	_ =	strace $0x80000047;
	s9 =	sshrl.u32 s29, $0x3;
	s6 =	sshll.u32 s29, $0x4  }
0x10: {  	s21 =	sshrl.u32 @!p0 s2, $0x3;
	s14 =	sadd.s32 s4, s9;
	s7 =	sadd.s32 s5, s6  }
0x11: {  	s11 =	simm.s32 $0x4520;
	s9 =	simm.s32 $0x8520;
	s5 =	simm.s32 $0x2  }
0x12: {  	s6 =	sadd.s32 $0x800, s7;
	s4 =	sadd.s32 $0x1000, s7;
	s3 =	sadd.s32 $0x1800, s7  }
0x13: {  	s22 =	simm.s32 @!p0 $0x1C03;
	s23 =	simm.s32 @!p0 $0x3  }
0x14: {  	[spmem:s21], [sflag:s22] =	dma.local @!p0 [hbm:s10], $0x640  }
0x15: {  	_ =	swait.ge @!p0 [sflag:s23], $0x640  }
0x16: {  	[sflag:s23] =	ssyncset.done @!p0 $0x0  }
0x17: {  	[sflag:s23] =	ssyncadd.s32 @!p0 $0xFFFFF9C0  }
0x18: {  	[tilespmem:s16], [sflag:$0x3] =	stream.linear.gather [hbm4b:s14+s1], $0x200, $0x38;
	[tilespmem:$0x10520] =	vst v63  }
0x19: {  	_ =	swait.ge [sflag:s17], $0x200  }
0x1a: {  	[sflag:s17] =	ssyncset.done $0x0  }
0x1b: {  	[sflag:s17] =	ssyncadd.s32 $0xFFFFFE00  }
0x1c: {  	[bflag:$0x0] =	sbarrier.arrive $0xFFFF  }
0x1d: {  	[tilespmem:s13], [sflag:$0x1] =	stream.indirect.gather [spmem:s2], $0x80, s16, s15, $0xb8;
	[tilespmem:$0x10520] =	vst v63  }
0x1e: {  	_ = 	snop  }
0x1f: {  	[tilespmem:s11], [sflag:$0x1] =	stream.indirect.gather [spmem:s2], $0x80, s18, s15, $0xb8;
	[tilespmem:$0x10520] =	vst v63  }
0x20: {  	_ = 	snop  }
0x21: {  	[tilespmem:s9], [sflag:$0x1] =	stream.indirect.gather [spmem:s2], $0x80, s19, s15, $0xb8;
	[tilespmem:$0x10520] =	vst v63  }
0x22: {  	_ = 	snop  }
0x23: {  	[tilespmem:s8], [sflag:$0x1] =	stream.indirect.gather [spmem:s2], $0x80, s20, s15, $0xb8;
	[tilespmem:$0x10520] =	vst v63  }
0x24: {  	_ =	swait.ge [sflag:s12], $0x4000  }
0x25: {  	[sflag:s12] =	ssyncset.done $0x0  }
0x26: {  	[sflag:s12] =	ssyncadd.s32 $0xFFFFC000  }
0x27: {  	[hbm4b:s7+s1] =	stream.linear.scatter [tilespmem:s13], [sflag:$0x2], $0x4000, $0x38;
	[tilespmem:$0x10520] =	vst v63  }
0x28: {  	_ =	swait.ge [sflag:s12], $0x4000  }
0x29: {  	[sflag:s12] =	ssyncset.done $0x0  }
0x2a: {  	[sflag:s12] =	ssyncadd.s32 $0xFFFFC000  }
0x2b: {  	[hbm4b:s6+s1] =	stream.linear.scatter [tilespmem:s11], [sflag:$0x2], $0x4000, $0x38;
	[tilespmem:$0x10520] =	vst v63  }
0x2c: {  	_ =	swait.ge [sflag:s12], $0x4000  }
0x2d: {  	[sflag:s12] =	ssyncset.done $0x0  }
0x2e: {  	[sflag:s12] =	ssyncadd.s32 $0xFFFFC000  }
0x2f: {  	[hbm4b:s4+s1] =	stream.linear.scatter [tilespmem:s9], [sflag:$0x2], $0x4000, $0x38;
	[tilespmem:$0x10520] =	vst v63  }
0x30: {  	_ =	swait.ge [sflag:s12], $0x4000  }
0x31: {  	[sflag:s12] =	ssyncset.done $0x0  }
0x32: {  	[sflag:s12] =	ssyncadd.s32 $0xFFFFC000  }
0x33: {  	[hbm4b:s3+s1] =	stream.linear.scatter [tilespmem:s8], [sflag:$0x2], $0x4000, $0x38;
	[tilespmem:$0x10520] =	vst v63  }
0x34: {  	_ =	swait.ge [sflag:s5], $0x4000  }
0x35: {  	[sflag:s5] =	ssyncset.done $0x0  }
0x36: {  	[sflag:s5] =	ssyncadd.s32 $0xFFFFC000  }
0x37: {  	_ =	swait.ge [sflag:s5], $0x4000  }
0x38: {  	s24 =	sadd.s32 $0xFFFFFFFF, s24;
	[sflag:s5] =	ssyncset.done $0x0  }
0x39: {  	p2 =	sne.s32 s24, $0x0;
	[sflag:s5] =	ssyncadd.s32 $0xFFFFC000  }
.Ltmp1:
0x3a: {  	_ =	swait.ge [sflag:s5], $0x4000;
	(pc) =	sbr.rel @!p2 .LBB2_3-.Ltmp1, $4  }
0x3b: {  	[sflag:s5] =	ssyncset.done $0x0  }
0x3c: {  	[sflag:s5] =	ssyncadd.s32 $0xFFFFC000  }
0x3d: {  	_ =	swait.ge [sflag:s5], $0x4000  }
0x3e: {  	p1 =	por $0x1, $0x1;
	[sflag:s5] =	ssyncset.done $0x0  }
.LBB2_2:
0x3f: {  	[sflag:s5] =	ssyncadd.s32 $0xFFFFC000  }
0x40: {  	[spmem:s21], [sflag:s22] =	dma.local @!p0 [hbm:s10], $0x640  }
0x41: {  	s24 =	sadd.s32 $0xFFFFFFFF, s24;
	_ =	swait.ge @!p0 [sflag:s23], $0x640  }
0x42: {  	p2 =	sne.s32 s24, $0x0;
	[sflag:s23] =	ssyncset.done @!p0 $0x0  }
0x43: {  	[sflag:s23] =	ssyncadd.s32 @!p0 $0xFFFFF9C0  }
0x44: {  	[tilespmem:s16], [sflag:$0x3] =	stream.linear.gather [hbm4b:s14+s1], $0x200, $0x38;
	[tilespmem:$0x10520] =	vst v63  }
0x45: {  	_ =	swait.ge [sflag:s17], $0x200  }
0x46: {  	[sflag:s17] =	ssyncset.done $0x0  }
0x47: {  	[sflag:s17] =	ssyncadd.s32 $0xFFFFFE00  }
0x48: {  	[bflag:$0x0] =	sbarrier.arrive $0xFFFF  }
0x49: {  	[tilespmem:s13], [sflag:$0x1] =	stream.indirect.gather [spmem:s2], $0x80, s16, s15, $0xb8;
	[tilespmem:$0x10520] =	vst v63  }
0x4a: {  	_ = 	snop  }
0x4b: {  	[tilespmem:s11], [sflag:$0x1] =	stream.indirect.gather [spmem:s2], $0x80, s18, s15, $0xb8;
	[tilespmem:$0x10520] =	vst v63  }
0x4c: {  	_ = 	snop  }
0x4d: {  	[tilespmem:s9], [sflag:$0x1] =	stream.indirect.gather [spmem:s2], $0x80, s19, s15, $0xb8;
	[tilespmem:$0x10520] =	vst v63  }
0x4e: {  	_ = 	snop  }
0x4f: {  	[tilespmem:s8], [sflag:$0x1] =	stream.indirect.gather [spmem:s2], $0x80, s20, s15, $0xb8;
	[tilespmem:$0x10520] =	vst v63  }
0x50: {  	_ =	swait.ge [sflag:s12], $0x4000  }
0x51: {  	[sflag:s12] =	ssyncset.done $0x0  }
0x52: {  	[sflag:s12] =	ssyncadd.s32 $0xFFFFC000  }
0x53: {  	[hbm4b:s7+s1] =	stream.linear.scatter [tilespmem:s13], [sflag:$0x2], $0x4000, $0x38;
	[tilespmem:$0x10520] =	vst v63  }
0x54: {  	_ =	swait.ge [sflag:s12], $0x4000  }
0x55: {  	[sflag:s12] =	ssyncset.done $0x0  }
0x56: {  	[sflag:s12] =	ssyncadd.s32 $0xFFFFC000  }
0x57: {  	[hbm4b:s6+s1] =	stream.linear.scatter [tilespmem:s11], [sflag:$0x2], $0x4000, $0x38;
	[tilespmem:$0x10520] =	vst v63  }
0x58: {  	_ =	swait.ge [sflag:s12], $0x4000  }
0x59: {  	[sflag:s12] =	ssyncset.done $0x0  }
0x5a: {  	[sflag:s12] =	ssyncadd.s32 $0xFFFFC000  }
0x5b: {  	[hbm4b:s4+s1] =	stream.linear.scatter [tilespmem:s9], [sflag:$0x2], $0x4000, $0x38;
	[tilespmem:$0x10520] =	vst v63  }
0x5c: {  	_ =	swait.ge [sflag:s12], $0x4000  }
0x5d: {  	[sflag:s12] =	ssyncset.done $0x0  }
0x5e: {  	[sflag:s12] =	ssyncadd.s32 $0xFFFFC000  }
0x5f: {  	[hbm4b:s3+s1] =	stream.linear.scatter [tilespmem:s8], [sflag:$0x2], $0x4000, $0x38;
	[tilespmem:$0x10520] =	vst v63  }
0x60: {  	_ =	swait.ge [sflag:s5], $0x4000  }
0x61: {  	[sflag:s5] =	ssyncset.done $0x0  }
0x62: {  	[sflag:s5] =	ssyncadd.s32 $0xFFFFC000  }
0x63: {  	_ =	swait.ge [sflag:s5], $0x4000  }
0x64: {  	[sflag:s5] =	ssyncset.done $0x0  }
0x65: {  	[sflag:s5] =	ssyncadd.s32 $0xFFFFC000  }
.Ltmp2:
0x66: {  	_ =	swait.ge [sflag:s5], $0x4000;
	(pc) =	sbr.rel @p2 .LBB2_2-.Ltmp2, $4  }
0x67: {  	[sflag:s5] =	ssyncset.done $0x0  }
0x68: {  	[sflag:s5] =	ssyncadd.s32 $0xFFFFC000  }
0x69: {  	_ =	swait.ge [sflag:s5], $0x4000  }
0x6a: {  	[sflag:s5] =	ssyncset.done $0x0  }
.LBB2_3:
0x6b: {  	s22 =	simm.s32 @!p0 $0x1C03;
	s23 =	simm.s32 @!p0 $0x3;
	[sflag:s5] =	ssyncadd.s32 @p1 $0xFFFFC000  }
0x6c: {  	[spmem:s21], [sflag:s22] =	dma.local @!p0 [hbm:s10], $0x640  }
0x6d: {  	_ =	swait.ge @!p0 [sflag:s23], $0x640  }
0x6e: {  	[sflag:s23] =	ssyncset.done @!p0 $0x0  }
0x6f: {  	[sflag:s23] =	ssyncadd.s32 @!p0 $0xFFFFF9C0  }
0x70: {  	[tilespmem:s16], [sflag:$0x3] =	stream.linear.gather [hbm4b:s14+s1], $0x200, $0x38;
	[tilespmem:$0x10520] =	vst v63  }
0x71: {  	_ =	swait.ge [sflag:s17], $0x200  }
0x72: {  	[sflag:s17] =	ssyncset.done $0x0  }
0x73: {  	[sflag:s17] =	ssyncadd.s32 $0xFFFFFE00  }
0x74: {  	[bflag:$0x0] =	sbarrier.arrive $0xFFFF  }
0x75: {  	[tilespmem:s13], [sflag:$0x1] =	stream.indirect.gather [spmem:s2], $0x80, s16, s15, $0xb8;
	[tilespmem:$0x10520] =	vst v63  }
0x76: {  	_ = 	snop  }
0x77: {  	[tilespmem:s11], [sflag:$0x1] =	stream.indirect.gather [spmem:s2], $0x80, s18, s15, $0xb8;
	[tilespmem:$0x10520] =	vst v63  }
0x78: {  	_ = 	snop  }
0x79: {  	[tilespmem:s9], [sflag:$0x1] =	stream.indirect.gather [spmem:s2], $0x80, s19, s15, $0xb8;
	[tilespmem:$0x10520] =	vst v63  }
0x7a: {  	_ = 	snop  }
0x7b: {  	[tilespmem:s8], [sflag:$0x1] =	stream.indirect.gather [spmem:s2], $0x80, s20, s15, $0xb8;
	[tilespmem:$0x10520] =	vst v63  }
0x7c: {  	_ =	swait.ge [sflag:s12], $0x4000  }
0x7d: {  	[sflag:s12] =	ssyncset.done $0x0  }
0x7e: {  	[sflag:s12] =	ssyncadd.s32 $0xFFFFC000  }
0x7f: {  	[hbm4b:s7+s1] =	stream.linear.scatter [tilespmem:s13], [sflag:$0x2], $0x4000, $0x38;
	[tilespmem:$0x10520] =	vst v63  }
0x80: {  	_ =	swait.ge [sflag:s12], $0x4000  }
0x81: {  	[sflag:s12] =	ssyncset.done $0x0  }
0x82: {  	[sflag:s12] =	ssyncadd.s32 $0xFFFFC000  }
0x83: {  	[hbm4b:s6+s1] =	stream.linear.scatter [tilespmem:s11], [sflag:$0x2], $0x4000, $0x38;
	[tilespmem:$0x10520] =	vst v63  }
0x84: {  	_ =	swait.ge [sflag:s12], $0x4000  }
0x85: {  	[sflag:s12] =	ssyncset.done $0x0  }
0x86: {  	[sflag:s12] =	ssyncadd.s32 $0xFFFFC000  }
0x87: {  	[hbm4b:s4+s1] =	stream.linear.scatter [tilespmem:s9], [sflag:$0x2], $0x4000, $0x38;
	[tilespmem:$0x10520] =	vst v63  }
0x88: {  	_ =	swait.ge [sflag:s12], $0x4000  }
0x89: {  	[sflag:s12] =	ssyncset.done $0x0  }
0x8a: {  	[sflag:s12] =	ssyncadd.s32 $0xFFFFC000  }
0x8b: {  	[hbm4b:s3+s1] =	stream.linear.scatter [tilespmem:s8], [sflag:$0x2], $0x4000, $0x38;
	[tilespmem:$0x10520] =	vst v63  }
0x8c: {  	_ =	swait.ge [sflag:s5], $0x4000  }
0x8d: {  	[sflag:s5] =	ssyncset.done $0x0  }
0x8e: {  	[sflag:s5] =	ssyncadd.s32 $0xFFFFC000  }
0x8f: {  	_ =	swait.ge [sflag:s5], $0x4000  }
0x90: {  	[sflag:s5] =	ssyncset.done $0x0  }
0x91: {  	[sflag:s5] =	ssyncadd.s32 $0xFFFFC000  }
0x92: {  	_ =	swait.ge [sflag:s5], $0x4000  }
0x93: {  	[sflag:s5] =	ssyncset.done $0x0  }
0x94: {  	[sflag:s5] =	ssyncadd.s32 $0xFFFFC000  }
0x95: {  	_ =	swait.ge [sflag:s5], $0x4000  }
0x96: {  	[sflag:s5] =	ssyncset.done $0x0  }
0x97: {  	[sflag:s5] =	ssyncadd.s32 $0xFFFFC000  }
0x98: {  	_ =	sfence.sel $0x180000  }
0x99: {  	[bflag:$0x0] =	sbarrier.arrive $0xFFFF  }
0x9a: {  	_ =	strace $0x90000047  }
0x9b: {  	s0 =	sadd.s32 @!p0 $0x100000, s0;
	[bflag:$0x2] =	sbarrier.arrive $0xFFFF  }
0x9c: {  	[sflag:s0] =	ssyncadd.tile.s32 @!p0 $0x1;
	_ =	shalt  }
.Lfunc_end2:
_tile_overlayer_lowered:
.L_overlay_start_2:
0x9d: {  	(tag) =	ssettag $0x2  }
0x9e: {  	s0 =	rddreg [dreg:$0x0];
	s2 =	stileid.u32  }
0x9f: {  	s1 =	rddreg [dreg:$0x1];
	p0 =	sne.s32 s2, $0x0  }
0xa0: {  	s3 =	rddreg [dreg:$0x2];
	[bflag:$0x3] =	sbarrier.arrive $0xFFFF;
	s2 =	simm.s32 @!p0 $0x1C03  }
0xa1: {  	[timem:s3], [sflag:s2] =	dma.local @!p0 [hbm:s0], s1  }
0xa2: {  	s0 =	simm.s32 @!p0 $0x3  }
0xa3: {  	_ =	swait.ge @!p0 [sflag:s0], s1  }
0xa4: {  	s1 =	ssub.s32 @!p0 $0x0, s1;
	[sflag:s0] =	ssyncset.done @!p0 $0x0  }
0xa5: {  	[sflag:s0] =	ssyncadd.s32 @!p0 s1  }
0xa6: {  	[bflag:$0x3] =	sbarrier.arrive $0xFFFF  }
0xa7: {  	_ =	shalt  }

</sc_bundles>
